<compile_context>
chip_gen: v7x
topology: tpu7x:2x2x1
jax: 0.10.2.dev20260603
libtpu: 0.0.44.dev20260713+nightly
codegen_flags: <defaults>
</compile_context>

<pallas_src>
import functools

import jax
import jax.numpy as jnp
from jax import lax
from jax.experimental import pallas as pl
from jax.experimental.pallas import tpu as pltpu
from jax.experimental.pallas import tpu_sc as plsc

N = 50000
M = 16
ATOM = 64
NBR = 41
F = 2 * ATOM
E = N * M
EPS = 1e-5


_TN0 = 2048
_G0 = (N + _TN0 - 1) // _TN0


def _k0_body(atomt_ref, wst_ref, wnt_ref, b_ref, p_ref, s_ref):
    at = atomt_ref[...]
    dn = (((0,), (0,)), ((), ()))
    p_ref[...] = lax.dot_general(at, wnt_ref[...], dn,
                                 preferred_element_type=jnp.float32)
    s_ref[...] = lax.dot_general(at, wst_ref[...], dn,
                                 preferred_element_type=jnp.float32) + b_ref[...]


def _k0(atomt, wst, wnt, b2d):
    return pl.pallas_call(
        _k0_body,
        grid=(_G0,),
        in_specs=[
            pl.BlockSpec((ATOM, _TN0), lambda i: (0, i)),
            pl.BlockSpec((ATOM, F), lambda i: (0, 0)),
            pl.BlockSpec((ATOM, F), lambda i: (0, 0)),
            pl.BlockSpec((1, F), lambda i: (0, 0)),
        ],
        out_specs=[
            pl.BlockSpec((_TN0, F), lambda i: (i, 0)),
            pl.BlockSpec((_TN0, F), lambda i: (i, 0)),
        ],
        out_shape=[
            jax.ShapeDtypeStruct((N, F), jnp.float32),
            jax.ShapeDtypeStruct((N, F), jnp.float32),
        ],
    )(atomt, wst, wnt, b2d)



_NC, _NS = 2, 16
_NW = _NC * _NS
_HN = N // 2
_CH = 200
_NCH = _HN // _CH


def _sc_gather(p_tbl, idx_t):
    mesh = plsc.VectorSubcoreMesh(core_axis_name="c", subcore_axis_name="s",
                                  num_cores=_NC)

    @functools.partial(
        pl.kernel,
        mesh=mesh,
        out_type=jax.ShapeDtypeStruct((E, F), jnp.float32),
        scratch_types=[
            pltpu.VMEM((N,), jnp.int32),
            pltpu.VMEM((_CH, F), jnp.float32),
            pltpu.VMEM((_CH, F), jnp.float32),
            pltpu.SemaphoreType.DMA,
            pltpu.SemaphoreType.DMA,
            pltpu.SemaphoreType.DMA,
            pltpu.SemaphoreType.DMA,
        ],
    )
    def gather_k(tbl_hbm, idx_hbm, out_hbm, idx_v, rows0, rows1, sem_g0,
                 sem_g1, sem_w0, sem_w1):
        wid = lax.axis_index("s") * _NC + lax.axis_index("c")
        m = wid // 2
        base = lax.rem(wid, 2) * _HN
        pltpu.sync_copy(idx_hbm.at[m], idx_v)
        obase = m * N + base

        def issue_gather(ch, rows_v, sem_g):
            pltpu.async_copy(
                tbl_hbm.at[idx_v.at[pl.ds(base + ch * _CH, _CH)]], rows_v,
                sem_g)

        issue_gather(0, rows0, sem_g0)

        def body(ch, _):
            b = lax.rem(ch, 2)

            def chunk(rows_v, sem_g, sem_w, rows_n, sem_gn, sem_wn):
                @pl.when(ch + 1 < _NCH)
                def _():
                    @pl.when(ch >= 1)
                    def _():
                        pltpu.make_async_copy(
                            rows_n, out_hbm.at[pl.ds(obase, _CH)],
                            sem_wn).wait()

                    issue_gather(ch + 1, rows_n, sem_gn)

                pltpu.make_async_copy(
                    tbl_hbm.at[idx_v.at[pl.ds(0, _CH)]], rows_v,
                    sem_g).wait()
                pltpu.async_copy(rows_v, out_hbm.at[pl.ds(obase + ch * _CH,
                                                          _CH)], sem_w)

            @pl.when(b == 0)
            def _():
                chunk(rows0, sem_g0, sem_w0, rows1, sem_g1, sem_w1)

            @pl.when(b == 1)
            def _():
                chunk(rows1, sem_g1, sem_w1, rows0, sem_g0, sem_w0)

            return 0

        lax.fori_loop(0, _NCH, body, 0)
        pltpu.make_async_copy(rows0, out_hbm.at[pl.ds(obase, _CH)],
                              sem_w0).wait()
        pltpu.make_async_copy(rows1, out_hbm.at[pl.ds(obase, _CH)],
                              sem_w1).wait()

    return gather_k(p_tbl, idx_t)



_TN1 = 1024
_G1 = (N + _TN1 - 1) // _TN1


def _p1_body(nbrt_ref, g_ref, s_ref, wet_ref, x_ref, s1_ref, s2_ref):
    i = pl.program_id(0)
    s = s_ref[...]
    rem = N - i * _TN1
    rmask = lax.broadcasted_iota(jnp.int32, (_TN1, F), 0) < rem
    dn = (((0,), (0,)), ((), ()))
    acc1 = jnp.zeros((1, F), jnp.float32)
    acc2 = jnp.zeros((1, F), jnp.float32)
    for m in range(M):
        ey = lax.dot_general(nbrt_ref[:, m, :], wet_ref[...], dn,
                             preferred_element_type=jnp.float32)
        xm = g_ref[m] + ey + s
        x_ref[m] = xm.astype(jnp.bfloat16)
        xv = jnp.where(rmask, xm, 0.0)
        acc1 += jnp.sum(xv, axis=0).reshape(1, F)
        acc2 += jnp.sum(xv * xv, axis=0).reshape(1, F)

    @pl.when(i == 0)
    def _():
        s1_ref[...] = jnp.zeros_like(s1_ref)
        s2_ref[...] = jnp.zeros_like(s2_ref)

    s1_ref[...] += acc1
    s2_ref[...] += acc2


def _pass1(nbrt, g3, s, wet):
    return pl.pallas_call(
        _p1_body,
        grid=(_G1,),
        in_specs=[
            pl.BlockSpec((NBR, M, _TN1), lambda i: (0, 0, i)),
            pl.BlockSpec((M, _TN1, F), lambda i: (0, i, 0)),
            pl.BlockSpec((_TN1, F), lambda i: (i, 0)),
            pl.BlockSpec((NBR, F), lambda i: (0, 0)),
        ],
        out_specs=[
            pl.BlockSpec((M, _TN1, F), lambda i: (0, i, 0)),
            pl.BlockSpec((1, F), lambda i: (0, 0)),
            pl.BlockSpec((1, F), lambda i: (0, 0)),
        ],
        out_shape=[
            jax.ShapeDtypeStruct((M, N, F), jnp.bfloat16),
            jax.ShapeDtypeStruct((1, F), jnp.float32),
            jax.ShapeDtypeStruct((1, F), jnp.float32),
        ],
    )(nbrt, g3, s, wet)




_LOG2E = 1.4426950408889634
_LN2 = 0.6931471805599453

_TN2 = 2048
_G2 = (N + _TN2 - 1) // _TN2


def _p2_body(x_ref, s1_ref, s2_ref, g1_ref, b1_ref, ns_ref, t1_ref, t2_ref):
    i = pl.program_id(0)
    inv = 1.0 / float(E)
    mu = s1_ref[...] * inv
    var = s2_ref[...] * inv - mu * mu
    a1 = g1_ref[...] * lax.rsqrt(var + EPS)
    c1 = b1_ref[...] - mu * a1
    af = -(a1[:, :ATOM] * _LOG2E)
    cf = -(c1[:, :ATOM] * _LOG2E)
    ac = a1[:, ATOM:] * _LOG2E
    cc = c1[:, ATOM:] * _LOG2E
    xf = x_ref[:, :, :ATOM].astype(jnp.float32)
    xc = x_ref[:, :, ATOM:].astype(jnp.float32)
    filt = 1.0 / (1.0 + jnp.exp2(af[None] * xf + cf[None]))
    core = jnp.log2(1.0 + jnp.exp2(ac[None] * xc + cc[None]))
    ns = _LN2 * jnp.sum(filt * core, axis=0)
    ns_ref[...] = ns

    @pl.when(i == 0)
    def _():
        t1_ref[...] = jnp.zeros_like(t1_ref)
        t2_ref[...] = jnp.zeros_like(t2_ref)

    rem = N - i * _TN2
    rmask = lax.broadcasted_iota(jnp.int32, (_TN2, ATOM), 0) < rem
    nsv = jnp.where(rmask, ns, 0.0)
    t1_ref[...] += jnp.sum(nsv, axis=0).reshape(1, ATOM)
    t2_ref[...] += jnp.sum(nsv * nsv, axis=0).reshape(1, ATOM)


def _pass2(x, s1, s2, g1, b1):
    return pl.pallas_call(
        _p2_body,
        grid=(_G2,),
        in_specs=[
            pl.BlockSpec((M, _TN2, F), lambda i: (0, i, 0)),
            pl.BlockSpec((1, F), lambda i: (0, 0)),
            pl.BlockSpec((1, F), lambda i: (0, 0)),
            pl.BlockSpec((1, F), lambda i: (0, 0)),
            pl.BlockSpec((1, F), lambda i: (0, 0)),
        ],
        out_specs=[
            pl.BlockSpec((_TN2, ATOM), lambda i: (i, 0)),
            pl.BlockSpec((1, ATOM), lambda i: (0, 0)),
            pl.BlockSpec((1, ATOM), lambda i: (0, 0)),
        ],
        out_shape=[
            jax.ShapeDtypeStruct((N, ATOM), jnp.float32),
            jax.ShapeDtypeStruct((1, ATOM), jnp.float32),
            jax.ShapeDtypeStruct((1, ATOM), jnp.float32),
        ],
    )(x, s1, s2, g1, b1)



_TN3 = 2000
_G3 = N // _TN3


def _p3_body(atom_ref, ns_ref, t1_ref, t2_ref, g2_ref, b2_ref, out_ref):
    inv = 1.0 / float(N)
    mu2 = t1_ref[...] * inv
    var2 = t2_ref[...] * inv - mu2 * mu2
    a2c = g2_ref[...] * lax.rsqrt(var2 + EPS)
    c2c = b2_ref[...] - mu2 * a2c
    out_ref[...] = jax.nn.softplus(atom_ref[...] + a2c * ns_ref[...] + c2c)


def _pass3(atom, ns, t1, t2, g2, b2):
    return pl.pallas_call(
        _p3_body,
        grid=(_G3,),
        in_specs=[
            pl.BlockSpec((_TN3, ATOM), lambda i: (i, 0)),
            pl.BlockSpec((_TN3, ATOM), lambda i: (i, 0)),
            pl.BlockSpec((1, ATOM), lambda i: (0, 0)),
            pl.BlockSpec((1, ATOM), lambda i: (0, 0)),
            pl.BlockSpec((1, ATOM), lambda i: (0, 0)),
            pl.BlockSpec((1, ATOM), lambda i: (0, 0)),
        ],
        out_specs=pl.BlockSpec((_TN3, ATOM), lambda i: (i, 0)),
        out_shape=jax.ShapeDtypeStruct((N, ATOM), jnp.float32),
    )(atom, ns, t1, t2, g2, b2)




def kernel(atom_in_fea, nbr_fea, nbr_fea_idx, W, b, bn1_g, bn1_b, bn2_g,
           bn2_b):
    atomt = atom_in_fea.T
    nbrt = jnp.transpose(nbr_fea, (2, 1, 0))
    idx_t = nbr_fea_idx.T.astype(jnp.int32)
    wst = W[:, :ATOM].T
    wnt = W[:, ATOM:2 * ATOM].T
    wet = W[:, 2 * ATOM:].T
    b2d = b.reshape(1, F)

    p_tbl, s_tbl = _k0(atomt, wst, wnt, b2d)
    g = _sc_gather(p_tbl, idx_t)
    g3 = g.reshape(M, N, F)
    x, s1, s2 = _pass1(nbrt, g3, s_tbl, wet)
    ns, t1, t2 = _pass2(x, s1, s2, bn1_g.reshape(1, F), bn1_b.reshape(1, F))
    return _pass3(atom_in_fea, ns, t1, t2, bn2_g.reshape(1, ATOM),
                  bn2_b.reshape(1, ATOM))

# --- scband reference (transcript-rebuilt; emitter-appended) ---
"""Pipeline reference for scband-conv-layer-44762149159176 (READ-ONLY COPY).

The authoritative reference and input builder live on the scoring server;
editing this copy changes nothing except your own understanding.
"""

import jax, jax.numpy as jnp
import numpy as np

N, M = 50000, 16
ATOM, NBR = 64, 41


def _batchnorm(x, g, b, eps=1e-5):
    mean = jnp.mean(x, axis=0)
    var = jnp.mean((x - mean) ** 2, axis=0)
    return g * (x - mean) / jnp.sqrt(var + eps) + b


def setup_inputs(seed: int = 0):
    key = jax.random.key(seed)
    ks = jax.random.split(key, 5)
    atom_in_fea = jax.random.normal(ks[0], (N, ATOM), dtype=jnp.float32)
    nbr_fea = jax.random.normal(ks[1], (N, M, NBR), dtype=jnp.float32)
    nbr_fea_idx = jax.random.randint(ks[2], (N, M), 0, N, dtype=jnp.int64 if jax.config.jax_enable_x64 else jnp.int32)
    fan_in = 2 * ATOM + NBR
    W = jax.random.normal(ks[3], (2 * ATOM, fan_in), dtype=jnp.float32) * (1.0 / np.sqrt(fan_in))
    b = jnp.zeros((2 * ATOM,), dtype=jnp.float32)
    bn1_g = jnp.ones((2 * ATOM,), dtype=jnp.float32)
    bn1_b = jnp.zeros((2 * ATOM,), dtype=jnp.float32)
    bn2_g = jnp.ones((ATOM,), dtype=jnp.float32)
    bn2_b = jnp.zeros((ATOM,), dtype=jnp.float32)
    return {
        'atom_in_fea': atom_in_fea,
        'nbr_fea': nbr_fea,
        'nbr_fea_idx': nbr_fea_idx,
        'W': W,
        'b': b,
        'bn1_g': bn1_g,
        'bn1_b': bn1_b,
        'bn2_g': bn2_g,
        'bn2_b': bn2_b,
    }


def reference(atom_in_fea, nbr_fea, nbr_fea_idx, W, b, bn1_g, bn1_b, bn2_g, bn2_b):
    Nn, Mm = nbr_fea_idx.shape
    # gather neighbor atom features: (N, M, atom_fea_len)
    atom_nbr_fea = jnp.take(atom_in_fea, nbr_fea_idx, axis=0)
    self_fea = jnp.broadcast_to(atom_in_fea[:, None, :], (Nn, Mm, atom_in_fea.shape[1]))
    total_nbr_fea = jnp.concatenate([self_fea, atom_nbr_fea, nbr_fea], axis=2)
    total_gated_fea = jnp.einsum('nmf,of->nmo', total_nbr_fea, W) + b
    total_gated_fea = _batchnorm(total_gated_fea.reshape(-1, 2 * ATOM), bn1_g, bn1_b).reshape(Nn, Mm, 2 * ATOM)
    nbr_filter, nbr_core = jnp.split(total_gated_fea, 2, axis=2)
    nbr_filter = jax.nn.sigmoid(nbr_filter)
    nbr_core = jax.nn.softplus(nbr_core)
    nbr_sumed = jnp.sum(nbr_filter * nbr_core, axis=1)
    nbr_sumed = _batchnorm(nbr_sumed, bn2_g, bn2_b)
    out = jax.nn.softplus(atom_in_fea + nbr_sumed)
    return out

if __name__ == "__main__":
    import jax
    _d = setup_inputs()
    print(jax.jit(kernel)(*tuple(_d.values())))

</pallas_src>

<mosaic_0001>
#map = affine_map<(d0, d1) -> (0, 0)>
module attributes {stable_mosaic.version = 14 : i64} {
  func.func @gather_k(%arg0: i32, %arg1: i32, %arg2: memref<50000x128xf32, #tpu.memory_space<hbm>>, %arg3: memref<16x50000xi32, #tpu.memory_space<hbm>>, %arg4: memref<800000x128xf32, #tpu.memory_space<hbm>>, %arg5: memref<50000xi32, #tpu.memory_space<vmem>>, %arg6: memref<200x128xf32, #tpu.memory_space<vmem>>, %arg7: memref<200x128xf32, #tpu.memory_space<vmem>>, %arg8: memref<!tpu.dma_semaphore, #tpu.memory_space<semaphore_mem>>, %arg9: memref<!tpu.dma_semaphore, #tpu.memory_space<semaphore_mem>>, %arg10: memref<!tpu.dma_semaphore, #tpu.memory_space<semaphore_mem>>, %arg11: memref<!tpu.dma_semaphore, #tpu.memory_space<semaphore_mem>>) attributes {dimension_semantics = [#tpu.dimension_semantics<core_parallel>, #tpu.dimension_semantics<subcore_parallel>], iteration_bounds = array<i64: 2, 16>, scalar_prefetch = 0 : i64, scratch_operands = 7 : i64, tpu.core_type = #tpu.core_type<sc_vector_subcore>, window_params = [{transform_indices = #map}, {transform_indices = #map}, {transform_indices = #map}]} {
    %mul3A = arith.constant 2 : i32
    %mul3A_0 = arith.muli %arg1, %mul3A : i32
    %add3A = arith.addi %mul3A_0, %arg0 : i32
    %jit3A = arith.constant 2 : i32
    %div3A = arith.divsi %add3A, %jit3A : i32
    %sign3A = arith.constant 0 : i32
    %sign3A_1 = arith.cmpi sgt, %add3A, %sign3A : i32
    %sign3A_2 = arith.extui %sign3A_1 : i1 to i32
    %sign3A_3 = arith.constant 0 : i32
    %sign3A_4 = arith.cmpi slt, %add3A, %sign3A_3 : i32
    %sign3A_5 = arith.extui %sign3A_4 : i1 to i32
    %sign3A_6 = arith.subi %sign3A_2, %sign3A_5 : i32
    %sign3A_7 = arith.constant 0 : i32
    %sign3A_8 = arith.cmpi sgt, %jit3A, %sign3A_7 : i32
    %sign3A_9 = arith.extui %sign3A_8 : i1 to i32
    %sign3A_10 = arith.constant 0 : i32
    %sign3A_11 = arith.cmpi slt, %jit3A, %sign3A_10 : i32
    %sign3A_12 = arith.extui %sign3A_11 : i1 to i32
    %sign3A_13 = arith.subi %sign3A_9, %sign3A_12 : i32
    %ne3A = arith.cmpi ne, %sign3A_6, %sign3A_13 : i32
    %rem3A = arith.remsi %add3A, %jit3A : i32
    %ne3A_14 = arith.constant 0 : i32
    %ne3A_15 = arith.cmpi ne, %rem3A, %ne3A_14 : i32
    %and3A = arith.andi %ne3A, %ne3A_15 : i1
    %sub3A = arith.constant 1 : i32
    %sub3A_16 = arith.subi %div3A, %sub3A : i32
    %select_n3A = arith.select %and3A, %sub3A_16, %div3A : i32
    %rem3A_17 = arith.constant 2 : i32
    %rem3A_18 = arith.remsi %add3A, %rem3A_17 : i32
    %mul3A_19 = arith.constant 25000 : i32
    %mul3A_20 = arith.muli %rem3A_18, %mul3A_19 : i32
    "tpu.region"() ({
      %run_scoped3A = tpu.sem_alloc : memref<!tpu.dma_semaphore, #tpu.memory_space<semaphore_mem>>
      %dma_start3A_42 = arith.constant 0 : i32
      %dma_start3A_43 = tpu.memref_slice %arg3[%select_n3A, %dma_start3A_42] : memref<16x50000xi32, #tpu.memory_space<hbm>> -> memref<1x50000xi32, #tpu.memory_space<hbm>>
      %dma_start3A_44 = tpu.memref_squeeze %dma_start3A_43 : memref<1x50000xi32, #tpu.memory_space<hbm>> -> memref<50000xi32, #tpu.memory_space<hbm>>
      %dma_start3A_45 = arith.constant 0 : i32
      %dma_start3A_46 = tpu.memref_slice %arg3[%select_n3A, %dma_start3A_45] : memref<16x50000xi32, #tpu.memory_space<hbm>> -> memref<1x50000xi32, #tpu.memory_space<hbm>>
      %dma_start3A_47 = tpu.memref_squeeze %dma_start3A_46 : memref<1x50000xi32, #tpu.memory_space<hbm>> -> memref<50000xi32, #tpu.memory_space<hbm>>
      tpu.enqueue_dma source(%dma_start3A_47 : memref<50000xi32, #tpu.memory_space<hbm>>) target(%arg5 : memref<50000xi32, #tpu.memory_space<vmem>>) target_semaphore(%run_scoped3A : memref<!tpu.dma_semaphore, #tpu.memory_space<semaphore_mem>>)
      %dma_wait3A_48 = arith.constant 0 : i32
      %dma_wait3A_49 = tpu.memref_slice %arg3[%select_n3A, %dma_wait3A_48] : memref<16x50000xi32, #tpu.memory_space<hbm>> -> memref<1x50000xi32, #tpu.memory_space<hbm>>
      %dma_wait3A_50 = tpu.memref_squeeze %dma_wait3A_49 : memref<1x50000xi32, #tpu.memory_space<hbm>> -> memref<50000xi32, #tpu.memory_space<hbm>>
      %dma_wait3A_51 = arith.constant 0 : i32
      %dma_wait3A_52 = tpu.memref_slice %arg3[%select_n3A, %dma_wait3A_51] : memref<16x50000xi32, #tpu.memory_space<hbm>> -> memref<1x50000xi32, #tpu.memory_space<hbm>>
      %dma_wait3A_53 = tpu.memref_squeeze %dma_wait3A_52 : memref<1x50000xi32, #tpu.memory_space<hbm>> -> memref<50000xi32, #tpu.memory_space<hbm>>
      tpu.wait_dma2 semaphore(%run_scoped3A : memref<!tpu.dma_semaphore, #tpu.memory_space<semaphore_mem>>) src(%dma_wait3A_53 : memref<50000xi32, #tpu.memory_space<hbm>>) dst(%arg5 : memref<50000xi32, #tpu.memory_space<vmem>>)
      tpu.yield
    }) : () -> ()
    %mul3A_21 = arith.constant 50000 : i32
    %mul3A_22 = arith.muli %select_n3A, %mul3A_21 : i32
    %add3A_23 = arith.addi %mul3A_22, %mul3A_20 : i32
    %add3A_24 = arith.constant 0 : i32
    %add3A_25 = arith.addi %mul3A_20, %add3A_24 : i32
    %dma_start3A = tpu.memref_slice %arg5[%add3A_25] : memref<50000xi32, #tpu.memory_space<vmem>> -> memref<200xi32, #tpu.memory_space<vmem>>
    %dma_start3A_26 = arith.constant 0 : i32
    %dma_start3A_27 = arith.constant 0 : i32
    %dma_start3A_28 = tpu.memref_slice %arg2[%dma_start3A_26, %dma_start3A_27] : memref<50000x128xf32, #tpu.memory_space<hbm>> -> memref<50000x128xf32, #tpu.memory_space<hbm>>
    tpu.enqueue_indirect_dma source(%dma_start3A_28 : memref<50000x128xf32, #tpu.memory_space<hbm>>) target(%arg6 : memref<200x128xf32, #tpu.memory_space<vmem>>) offsets(%dma_start3A : memref<200xi32, #tpu.memory_space<vmem>>) semaphore(%arg8 : memref<!tpu.dma_semaphore, #tpu.memory_space<semaphore_mem>>)
    %scan3A = arith.constant 0 : i32
    %scan3A_29 = arith.constant 0 : i32
    %scan3A_30 = arith.constant 125 : i32
    %scan3A_31 = arith.addi %scan3A_29, %scan3A_30 : i32
    %scan3A_32 = arith.constant 1 : i32
    %scan3A_33 = scf.for %scan3A_42 = %scan3A_29 to %scan3A_31 step %scan3A_32 iter_args(%scan3A_43 = %scan3A) -> (i32)  : i32 {
      %rem3A_44 = arith.constant 2 : i32
      %rem3A_45 = arith.remsi %scan3A_42, %rem3A_44 : i32
      %eq3A = arith.constant 0 : i32
      %eq3A_46 = arith.cmpi eq, %rem3A_45, %eq3A : i32
      %convert_element_type3A = arith.extui %eq3A_46 : i1 to i32
      %cond3A = arith.constant 0 : i32
      %cond3A_47 = arith.cmpi ne, %convert_element_type3A, %cond3A : i32
      scf.if %cond3A_47 {
        %add3A_54 = arith.constant 1 : i32
        %add3A_55 = arith.addi %scan3A_42, %add3A_54 : i32
        %lt3A = arith.constant 125 : i32
        %lt3A_56 = arith.cmpi slt, %add3A_55, %lt3A : i32
        %convert_element_type3A_57 = arith.extui %lt3A_56 : i1 to i32
        %cond3A_58 = arith.constant 0 : i32
        %cond3A_59 = arith.cmpi ne, %convert_element_type3A_57, %cond3A_58 : i32
        scf.if %cond3A_59 {
          %ge3A = arith.constant 1 : i32
          %ge3A_72 = arith.cmpi sge, %scan3A_42, %ge3A : i32
          %convert_element_type3A_73 = arith.extui %ge3A_72 : i1 to i32
          %cond3A_74 = arith.constant 0 : i32
          %cond3A_75 = arith.cmpi ne, %convert_element_type3A_73, %cond3A_74 : i32
          scf.if %cond3A_75 {
            %dma_wait3A_85 = arith.constant 0 : i32
            %dma_wait3A_86 = tpu.memref_slice %arg4[%add3A_23, %dma_wait3A_85] : memref<800000x128xf32, #tpu.memory_space<hbm>> -> memref<200x128xf32, #tpu.memory_space<hbm>>
            %dma_wait3A_87 = arith.constant 0 : i32
            %dma_wait3A_88 = tpu.memref_slice %arg4[%add3A_23, %dma_wait3A_87] : memref<800000x128xf32, #tpu.memory_space<hbm>> -> memref<200x128xf32, #tpu.memory_space<hbm>>
            tpu.wait_dma2 semaphore(%arg11 : memref<!tpu.dma_semaphore, #tpu.memory_space<semaphore_mem>>) src(%arg7 : memref<200x128xf32, #tpu.memory_space<vmem>>) dst(%dma_wait3A_88 : memref<200x128xf32, #tpu.memory_space<hbm>>)
          } else {
          }
          %add3A_76 = arith.constant 1 : i32
          %add3A_77 = arith.addi %scan3A_42, %add3A_76 : i32
          %mul3A_78 = arith.constant 200 : i32
          %mul3A_79 = arith.muli %add3A_77, %mul3A_78 : i32
          %add3A_80 = arith.addi %mul3A_20, %mul3A_79 : i32
          %dma_start3A_81 = tpu.memref_slice %arg5[%add3A_80] : memref<50000xi32, #tpu.memory_space<vmem>> -> memref<200xi32, #tpu.memory_space<vmem>>
          %dma_start3A_82 = arith.constant 0 : i32
          %dma_start3A_83 = arith.constant 0 : i32
          %dma_start3A_84 = tpu.memref_slice %arg2[%dma_start3A_82, %dma_start3A_83] : memref<50000x128xf32, #tpu.memory_space<hbm>> -> memref<50000x128xf32, #tpu.memory_space<hbm>>
          tpu.enqueue_indirect_dma source(%dma_start3A_84 : memref<50000x128xf32, #tpu.memory_space<hbm>>) target(%arg7 : memref<200x128xf32, #tpu.memory_space<vmem>>) offsets(%dma_start3A_81 : memref<200xi32, #tpu.memory_space<vmem>>) semaphore(%arg9 : memref<!tpu.dma_semaphore, #tpu.memory_space<semaphore_mem>>)
        } else {
        }
        %dma_wait3A_60 = arith.constant 0 : i32
        %dma_wait3A_61 = tpu.memref_slice %arg5[%dma_wait3A_60] : memref<50000xi32, #tpu.memory_space<vmem>> -> memref<200xi32, #tpu.memory_space<vmem>>
        %dma_wait3A_62 = arith.constant 0 : i32
        %dma_wait3A_63 = arith.constant 0 : i32
        %dma_wait3A_64 = tpu.memref_slice %arg2[%dma_wait3A_62, %dma_wait3A_63] : memref<50000x128xf32, #tpu.memory_space<hbm>> -> memref<50000x128xf32, #tpu.memory_space<hbm>>
        tpu.wait_indirect_dma semaphore(%arg8 : memref<!tpu.dma_semaphore, #tpu.memory_space<semaphore_mem>>) src(%dma_wait3A_64 : memref<50000x128xf32, #tpu.memory_space<hbm>>) dst(%arg6 : memref<200x128xf32, #tpu.memory_space<vmem>>)
        %mul3A_65 = arith.constant 200 : i32
        %mul3A_66 = arith.muli %scan3A_42, %mul3A_65 : i32
        %add3A_67 = arith.addi %add3A_23, %mul3A_66 : i32
        %dma_start3A_68 = arith.constant 0 : i32
        %dma_start3A_69 = tpu.memref_slice %arg4[%add3A_67, %dma_start3A_68] : memref<800000x128xf32, #tpu.memory_space<hbm>> -> memref<200x128xf32, #tpu.memory_space<hbm>>
        %dma_start3A_70 = arith.constant 0 : i32
        %dma_start3A_71 = tpu.memref_slice %arg4[%add3A_67, %dma_start3A_70] : memref<800000x128xf32, #tpu.memory_space<hbm>> -> memref<200x128xf32, #tpu.memory_space<hbm>>
        tpu.enqueue_dma source(%arg6 : memref<200x128xf32, #tpu.memory_space<vmem>>) target(%dma_start3A_71 : memref<200x128xf32, #tpu.memory_space<hbm>>) target_semaphore(%arg10 : memref<!tpu.dma_semaphore, #tpu.memory_space<semaphore_mem>>)
      } else {
      }
      %eq3A_48 = arith.constant 1 : i32
      %eq3A_49 = arith.cmpi eq, %rem3A_45, %eq3A_48 : i32
      %convert_element_type3A_50 = arith.extui %eq3A_49 : i1 to i32
      %cond3A_51 = arith.constant 0 : i32
      %cond3A_52 = arith.cmpi ne, %convert_element_type3A_50, %cond3A_51 : i32
      scf.if %cond3A_52 {
        %add3A_54 = arith.constant 1 : i32
        %add3A_55 = arith.addi %scan3A_42, %add3A_54 : i32
        %lt3A = arith.constant 125 : i32
        %lt3A_56 = arith.cmpi slt, %add3A_55, %lt3A : i32
        %convert_element_type3A_57 = arith.extui %lt3A_56 : i1 to i32
        %cond3A_58 = arith.constant 0 : i32
        %cond3A_59 = arith.cmpi ne, %convert_element_type3A_57, %cond3A_58 : i32
        scf.if %cond3A_59 {
          %ge3A = arith.constant 1 : i32
          %ge3A_72 = arith.cmpi sge, %scan3A_42, %ge3A : i32
          %convert_element_type3A_73 = arith.extui %ge3A_72 : i1 to i32
          %cond3A_74 = arith.constant 0 : i32
          %cond3A_75 = arith.cmpi ne, %convert_element_type3A_73, %cond3A_74 : i32
          scf.if %cond3A_75 {
            %dma_wait3A_85 = arith.constant 0 : i32
            %dma_wait3A_86 = tpu.memref_slice %arg4[%add3A_23, %dma_wait3A_85] : memref<800000x128xf32, #tpu.memory_space<hbm>> -> memref<200x128xf32, #tpu.memory_space<hbm>>
            %dma_wait3A_87 = arith.constant 0 : i32
            %dma_wait3A_88 = tpu.memref_slice %arg4[%add3A_23, %dma_wait3A_87] : memref<800000x128xf32, #tpu.memory_space<hbm>> -> memref<200x128xf32, #tpu.memory_space<hbm>>
            tpu.wait_dma2 semaphore(%arg10 : memref<!tpu.dma_semaphore, #tpu.memory_space<semaphore_mem>>) src(%arg6 : memref<200x128xf32, #tpu.memory_space<vmem>>) dst(%dma_wait3A_88 : memref<200x128xf32, #tpu.memory_space<hbm>>)
          } else {
          }
          %add3A_76 = arith.constant 1 : i32
          %add3A_77 = arith.addi %scan3A_42, %add3A_76 : i32
          %mul3A_78 = arith.constant 200 : i32
          %mul3A_79 = arith.muli %add3A_77, %mul3A_78 : i32
          %add3A_80 = arith.addi %mul3A_20, %mul3A_79 : i32
          %dma_start3A_81 = tpu.memref_slice %arg5[%add3A_80] : memref<50000xi32, #tpu.memory_space<vmem>> -> memref<200xi32, #tpu.memory_space<vmem>>
          %dma_start3A_82 = arith.constant 0 : i32
          %dma_start3A_83 = arith.constant 0 : i32
          %dma_start3A_84 = tpu.memref_slice %arg2[%dma_start3A_82, %dma_start3A_83] : memref<50000x128xf32, #tpu.memory_space<hbm>> -> memref<50000x128xf32, #tpu.memory_space<hbm>>
          tpu.enqueue_indirect_dma source(%dma_start3A_84 : memref<50000x128xf32, #tpu.memory_space<hbm>>) target(%arg6 : memref<200x128xf32, #tpu.memory_space<vmem>>) offsets(%dma_start3A_81 : memref<200xi32, #tpu.memory_space<vmem>>) semaphore(%arg8 : memref<!tpu.dma_semaphore, #tpu.memory_space<semaphore_mem>>)
        } else {
        }
        %dma_wait3A_60 = arith.constant 0 : i32
        %dma_wait3A_61 = tpu.memref_slice %arg5[%dma_wait3A_60] : memref<50000xi32, #tpu.memory_space<vmem>> -> memref<200xi32, #tpu.memory_space<vmem>>
        %dma_wait3A_62 = arith.constant 0 : i32
        %dma_wait3A_63 = arith.constant 0 : i32
        %dma_wait3A_64 = tpu.memref_slice %arg2[%dma_wait3A_62, %dma_wait3A_63] : memref<50000x128xf32, #tpu.memory_space<hbm>> -> memref<50000x128xf32, #tpu.memory_space<hbm>>
        tpu.wait_indirect_dma semaphore(%arg9 : memref<!tpu.dma_semaphore, #tpu.memory_space<semaphore_mem>>) src(%dma_wait3A_64 : memref<50000x128xf32, #tpu.memory_space<hbm>>) dst(%arg7 : memref<200x128xf32, #tpu.memory_space<vmem>>)
        %mul3A_65 = arith.constant 200 : i32
        %mul3A_66 = arith.muli %scan3A_42, %mul3A_65 : i32
        %add3A_67 = arith.addi %add3A_23, %mul3A_66 : i32
        %dma_start3A_68 = arith.constant 0 : i32
        %dma_start3A_69 = tpu.memref_slice %arg4[%add3A_67, %dma_start3A_68] : memref<800000x128xf32, #tpu.memory_space<hbm>> -> memref<200x128xf32, #tpu.memory_space<hbm>>
        %dma_start3A_70 = arith.constant 0 : i32
        %dma_start3A_71 = tpu.memref_slice %arg4[%add3A_67, %dma_start3A_70] : memref<800000x128xf32, #tpu.memory_space<hbm>> -> memref<200x128xf32, #tpu.memory_space<hbm>>
        tpu.enqueue_dma source(%arg7 : memref<200x128xf32, #tpu.memory_space<vmem>>) target(%dma_start3A_71 : memref<200x128xf32, #tpu.memory_space<hbm>>) target_semaphore(%arg11 : memref<!tpu.dma_semaphore, #tpu.memory_space<semaphore_mem>>)
      } else {
      }
      %scan3A_53 = arith.constant 0 : i32
      scf.yield %scan3A_53 : i32
    }
    %scan3A_34 = arith.constant 125 : i32
    %dma_wait3A = arith.constant 0 : i32
    %dma_wait3A_35 = tpu.memref_slice %arg4[%add3A_23, %dma_wait3A] : memref<800000x128xf32, #tpu.memory_space<hbm>> -> memref<200x128xf32, #tpu.memory_space<hbm>>
    %dma_wait3A_36 = arith.constant 0 : i32
    %dma_wait3A_37 = tpu.memref_slice %arg4[%add3A_23, %dma_wait3A_36] : memref<800000x128xf32, #tpu.memory_space<hbm>> -> memref<200x128xf32, #tpu.memory_space<hbm>>
    tpu.wait_dma2 semaphore(%arg10 : memref<!tpu.dma_semaphore, #tpu.memory_space<semaphore_mem>>) src(%arg6 : memref<200x128xf32, #tpu.memory_space<vmem>>) dst(%dma_wait3A_37 : memref<200x128xf32, #tpu.memory_space<hbm>>)
    %dma_wait3A_38 = arith.constant 0 : i32
    %dma_wait3A_39 = tpu.memref_slice %arg4[%add3A_23, %dma_wait3A_38] : memref<800000x128xf32, #tpu.memory_space<hbm>> -> memref<200x128xf32, #tpu.memory_space<hbm>>
    %dma_wait3A_40 = arith.constant 0 : i32
    %dma_wait3A_41 = tpu.memref_slice %arg4[%add3A_23, %dma_wait3A_40] : memref<800000x128xf32, #tpu.memory_space<hbm>> -> memref<200x128xf32, #tpu.memory_space<hbm>>
    tpu.wait_dma2 semaphore(%arg11 : memref<!tpu.dma_semaphore, #tpu.memory_space<semaphore_mem>>) src(%arg7 : memref<200x128xf32, #tpu.memory_space<vmem>>) dst(%dma_wait3A_41 : memref<200x128xf32, #tpu.memory_space<hbm>>)
    return
  }
}

module attributes {stable_mosaic.version = 14 : i64} {
  func.func @_k0_body(%arg0: i32, %arg1: memref<64x2048xf32, #tpu.memory_space<vmem>>, %arg2: memref<64x128xf32, #tpu.memory_space<vmem>>, %arg3: memref<64x128xf32, #tpu.memory_space<vmem>>, %arg4: memref<1x128xf32, #tpu.memory_space<vmem>>, %arg5: memref<2048x128xf32, #tpu.memory_space<vmem>>, %arg6: memref<2048x128xf32, #tpu.memory_space<vmem>>) attributes {dimension_semantics = [#tpu.dimension_semantics<arbitrary>], iteration_bounds = array<i64: 25>, scalar_prefetch = 0 : i64, scratch_operands = 0 : i64, tpu.core_type = #tpu.core_type<tc>, window_params = [{transform_indices = @transform_0, window_bounds = array<i64: 64, 2048>}, {pipeline_mode = #tpu.pipeline_mode<synchronous>, transform_indices = @transform_1, window_bounds = array<i64: 64, 128>}, {pipeline_mode = #tpu.pipeline_mode<synchronous>, transform_indices = @transform_2, window_bounds = array<i64: 64, 128>}, {pipeline_mode = #tpu.pipeline_mode<synchronous>, transform_indices = @transform_3, window_bounds = array<i64: 1, 128>}, {transform_indices = @transform_4, window_bounds = array<i64: 2048, 128>}, {transform_indices = @transform_5, window_bounds = array<i64: 2048, 128>}]} {
    %get3A = arith.constant 0 : index
    %get3A_0 = arith.constant 0 : index
    %get3A_1 = vector.load %arg1[%get3A, %get3A_0] : memref<64x2048xf32, #tpu.memory_space<vmem>>, vector<64x2048xf32>
    %get3A_2 = arith.constant 0 : index
    %get3A_3 = arith.constant 0 : index
    %get3A_4 = vector.load %arg3[%get3A_2, %get3A_3] : memref<64x128xf32, #tpu.memory_space<vmem>>, vector<64x128xf32>
    %dot_general3A = arith.constant dense<0.000000e+00> : vector<2048x128xf32>
    %dot_general3A_5 = tpu.matmul %get3A_1, %get3A_4, %dot_general3A {dimension_numbers = #tpu.dot_dimension_numbers<[0], [0], [1], [1], [0, 1, 1, 1], [], []>, transpose_lhs_hint = false} : vector<64x2048xf32>, vector<64x128xf32>, vector<2048x128xf32> -> vector<2048x128xf32>
    %swap3A = arith.constant 0 : index
    %swap3A_6 = arith.constant 0 : index
    %swap3A_7 = vector.load %arg5[%swap3A, %swap3A_6] : memref<2048x128xf32, #tpu.memory_space<vmem>>, vector<2048x128xf32>
    tpu.vector_store %arg5[%swap3A, %swap3A_6], %dot_general3A_5 {strides = array<i32>} : memref<2048x128xf32, #tpu.memory_space<vmem>>, vector<2048x128xf32>,
    %get3A_8 = arith.constant 0 : index
    %get3A_9 = arith.constant 0 : index
    %get3A_10 = vector.load %arg2[%get3A_8, %get3A_9] : memref<64x128xf32, #tpu.memory_space<vmem>>, vector<64x128xf32>
    %dot_general3A_11 = arith.constant dense<0.000000e+00> : vector<2048x128xf32>
    %dot_general3A_12 = tpu.matmul %get3A_1, %get3A_10, %dot_general3A_11 {dimension_numbers = #tpu.dot_dimension_numbers<[0], [0], [1], [1], [0, 1, 1, 1], [], []>, transpose_lhs_hint = false} : vector<64x2048xf32>, vector<64x128xf32>, vector<2048x128xf32> -> vector<2048x128xf32>
    %get3A_13 = arith.constant 0 : index
    %get3A_14 = arith.constant 0 : index
    %get3A_15 = vector.load %arg4[%get3A_13, %get3A_14] : memref<1x128xf32, #tpu.memory_space<vmem>>, vector<1x128xf32>
    %add3A = vector.broadcast %get3A_15 : vector<1x128xf32> to vector<2048x128xf32>
    %add3A_16 = arith.addf %dot_general3A_12, %add3A : vector<2048x128xf32>
    %swap3A_17 = arith.constant 0 : index
    %swap3A_18 = arith.constant 0 : index
    %swap3A_19 = vector.load %arg6[%swap3A_17, %swap3A_18] : memref<2048x128xf32, #tpu.memory_space<vmem>>, vector<2048x128xf32>
    tpu.vector_store %arg6[%swap3A_17, %swap3A_18], %add3A_16 {strides = array<i32>} : memref<2048x128xf32, #tpu.memory_space<vmem>>, vector<2048x128xf32>,
    return
  }
  func.func @transform_0(%arg0: i32) -> (i32, i32) {
    %c0_i32 = arith.constant 0 : i32
    %c0_i32_0 = arith.constant 0 : i32
    return %c0_i32, %arg0 : i32, i32
  }
  func.func @transform_1(%arg0: i32) -> (i32, i32) {
    %c0_i32 = arith.constant 0 : i32
    %c0_i32_0 = arith.constant 0 : i32
    %c0_i32_1 = arith.constant 0 : i32
    return %c0_i32, %c0_i32_0 : i32, i32
  }
  func.func @transform_2(%arg0: i32) -> (i32, i32) {
    %c0_i32 = arith.constant 0 : i32
    %c0_i32_0 = arith.constant 0 : i32
    %c0_i32_1 = arith.constant 0 : i32
    return %c0_i32, %c0_i32_0 : i32, i32
  }
  func.func @transform_3(%arg0: i32) -> (i32, i32) {
    %c0_i32 = arith.constant 0 : i32
    %c0_i32_0 = arith.constant 0 : i32
    %c0_i32_1 = arith.constant 0 : i32
    return %c0_i32, %c0_i32_0 : i32, i32
  }
  func.func @transform_4(%arg0: i32) -> (i32, i32) {
    %c0_i32 = arith.constant 0 : i32
    %c0_i32_0 = arith.constant 0 : i32
    return %arg0, %c0_i32 : i32, i32
  }
  func.func @transform_5(%arg0: i32) -> (i32, i32) {
    %c0_i32 = arith.constant 0 : i32
    %c0_i32_0 = arith.constant 0 : i32
    return %arg0, %c0_i32 : i32, i32
  }
}

module attributes {stable_mosaic.version = 14 : i64} {
  func.func @_p1_body(%arg0: i32, %arg1: memref<41x16x1024xf32, #tpu.memory_space<vmem>>, %arg2: memref<16x1024x128xf32, #tpu.memory_space<vmem>>, %arg3: memref<1024x128xf32, #tpu.memory_space<vmem>>, %arg4: memref<41x128xf32, #tpu.memory_space<vmem>>, %arg5: memref<16x1024x128xbf16, #tpu.memory_space<vmem>>, %arg6: memref<1x128xf32, #tpu.memory_space<vmem>>, %arg7: memref<1x128xf32, #tpu.memory_space<vmem>>) attributes {dimension_semantics = [#tpu.dimension_semantics<arbitrary>], iteration_bounds = array<i64: 49>, scalar_prefetch = 0 : i64, scratch_operands = 0 : i64, tpu.core_type = #tpu.core_type<tc>, window_params = [{transform_indices = @transform_0, window_bounds = array<i64: 41, 16, 1024>}, {transform_indices = @transform_1, window_bounds = array<i64: 16, 1024, 128>}, {transform_indices = @transform_2, window_bounds = array<i64: 1024, 128>}, {pipeline_mode = #tpu.pipeline_mode<synchronous>, transform_indices = @transform_3, window_bounds = array<i64: 41, 128>}, {transform_indices = @transform_4, window_bounds = array<i64: 16, 1024, 128>}, {pipeline_mode = #tpu.pipeline_mode<synchronous>, transform_indices = @transform_5, window_bounds = array<i64: 1, 128>}, {pipeline_mode = #tpu.pipeline_mode<synchronous>, transform_indices = @transform_6, window_bounds = array<i64: 1, 128>}]} {
    %get3A = arith.constant 0 : index
    %get3A_0 = arith.constant 0 : index
    %get3A_1 = vector.load %arg3[%get3A, %get3A_0] : memref<1024x128xf32, #tpu.memory_space<vmem>>, vector<1024x128xf32>
    %mul3A = arith.constant 1024 : i32
    %mul3A_2 = arith.muli %arg0, %mul3A : i32
    %sub3A = arith.constant 50000 : i32
    %sub3A_3 = arith.subi %sub3A, %mul3A_2 : i32
    %iota3A = tpu.iota {dimensions = array<i32: 0>} : vector<1024x128xi32>
    %lt3A = vector.broadcast %sub3A_3 : i32 to vector<1024x128xi32>
    %lt3A_4 = arith.cmpi slt, %iota3A, %lt3A : vector<1024x128xi32>
    %broadcast_in_dim3A = arith.constant 0.000000e+00 : f32
    %broadcast_in_dim3A_5 = vector.broadcast %broadcast_in_dim3A : f32 to vector<1x128xf32>
    %broadcast_in_dim3A_6 = arith.constant 0.000000e+00 : f32
    %broadcast_in_dim3A_7 = vector.broadcast %broadcast_in_dim3A_6 : f32 to vector<1x128xf32>
    %get3A_8 = arith.constant 0 : index
    %get3A_9 = arith.constant 0 : index
    %get3A_10 = arith.constant 0 : index
    %get3A_11 = vector.load %arg1[%get3A_8, %get3A_9, %get3A_10] : memref<41x16x1024xf32, #tpu.memory_space<vmem>>, vector<41x1x1024xf32>
    %get3A_12 = vector.shape_cast %get3A_11 : vector<41x1x1024xf32> to vector<41x1024xf32>
    %get3A_13 = arith.constant 0 : index
    %get3A_14 = arith.constant 0 : index
    %get3A_15 = vector.load %arg4[%get3A_13, %get3A_14] : memref<41x128xf32, #tpu.memory_space<vmem>>, vector<41x128xf32>
    %dot_general3A = arith.constant dense<0.000000e+00> : vector<1024x128xf32>
    %dot_general3A_16 = tpu.matmul %get3A_12, %get3A_15, %dot_general3A {dimension_numbers = #tpu.dot_dimension_numbers<[0], [0], [1], [1], [0, 1, 1, 1], [], []>, transpose_lhs_hint = false} : vector<41x1024xf32>, vector<41x128xf32>, vector<1024x128xf32> -> vector<1024x128xf32>
    %get3A_17 = arith.constant 0 : index
    %get3A_18 = arith.constant 0 : index
    %get3A_19 = arith.constant 0 : index
    %get3A_20 = vector.load %arg2[%get3A_17, %get3A_18, %get3A_19] : memref<16x1024x128xf32, #tpu.memory_space<vmem>>, vector<1x1024x128xf32>
    %get3A_21 = vector.shape_cast %get3A_20 : vector<1x1024x128xf32> to vector<1024x128xf32>
    %add3A = arith.addf %get3A_21, %dot_general3A_16 : vector<1024x128xf32>
    %add3A_22 = arith.addf %add3A, %get3A_1 : vector<1024x128xf32>
    %convert_element_type3A = arith.truncf %add3A_22 : vector<1024x128xf32> to vector<1024x128xbf16>
    %swap3A = arith.constant 0 : index
    %swap3A_23 = arith.constant 0 : index
    %swap3A_24 = arith.constant 0 : index
    %swap3A_25 = vector.load %arg5[%swap3A, %swap3A_23, %swap3A_24] : memref<16x1024x128xbf16, #tpu.memory_space<vmem>>, vector<1x1024x128xbf16>
    %swap3A_26 = vector.shape_cast %swap3A_25 : vector<1x1024x128xbf16> to vector<1024x128xbf16>
    %swap3A_27 = vector.shape_cast %convert_element_type3A : vector<1024x128xbf16> to vector<1x1024x128xbf16>
    tpu.vector_store %arg5[%swap3A, %swap3A_23, %swap3A_24], %swap3A_27 {strides = array<i32>} : memref<16x1024x128xbf16, #tpu.memory_space<vmem>>, vector<1x1024x128xbf16>,
    %jit3A = arith.constant 0.000000e+00 : f32
    %broadcast_in_dim3A_28 = vector.broadcast %jit3A : f32 to vector<1024x128xf32>
    %select_n3A = arith.select %lt3A_4, %add3A_22, %broadcast_in_dim3A_28 : vector<1024x128xi1>, vector<1024x128xf32>
    %reduce_sum3A = arith.constant dense<0.000000e+00> : vector<128xf32>
    %reduce_sum3A_29 = vector.multi_reduction <add>, %select_n3A, %reduce_sum3A [0] : vector<1024x128xf32> to vector<128xf32>
    %reshape3A = vector.shape_cast %reduce_sum3A_29 : vector<128xf32> to vector<1x128xf32>
    %add3A_30 = arith.addf %broadcast_in_dim3A_5, %reshape3A : vector<1x128xf32>
    %mul3A_31 = arith.mulf %select_n3A, %select_n3A : vector<1024x128xf32>
    %reduce_sum3A_32 = arith.constant dense<0.000000e+00> : vector<128xf32>
    %reduce_sum3A_33 = vector.multi_reduction <add>, %mul3A_31, %reduce_sum3A_32 [0] : vector<1024x128xf32> to vector<128xf32>
    %reshape3A_34 = vector.shape_cast %reduce_sum3A_33 : vector<128xf32> to vector<1x128xf32>
    %add3A_35 = arith.addf %broadcast_in_dim3A_7, %reshape3A_34 : vector<1x128xf32>
    %get3A_36 = arith.constant 0 : index
    %get3A_37 = arith.constant 1 : index
    %get3A_38 = arith.constant 0 : index
    %get3A_39 = vector.load %arg1[%get3A_36, %get3A_37, %get3A_38] : memref<41x16x1024xf32, #tpu.memory_space<vmem>>, vector<41x1x1024xf32>
    %get3A_40 = vector.shape_cast %get3A_39 : vector<41x1x1024xf32> to vector<41x1024xf32>
    %get3A_41 = arith.constant 0 : index
    %get3A_42 = arith.constant 0 : index
    %get3A_43 = vector.load %arg4[%get3A_41, %get3A_42] : memref<41x128xf32, #tpu.memory_space<vmem>>, vector<41x128xf32>
    %dot_general3A_44 = arith.constant dense<0.000000e+00> : vector<1024x128xf32>
    %dot_general3A_45 = tpu.matmul %get3A_40, %get3A_43, %dot_general3A_44 {dimension_numbers = #tpu.dot_dimension_numbers<[0], [0], [1], [1], [0, 1, 1, 1], [], []>, transpose_lhs_hint = false} : vector<41x1024xf32>, vector<41x128xf32>, vector<1024x128xf32> -> vector<1024x128xf32>
    %get3A_46 = arith.constant 1 : index
    %get3A_47 = arith.constant 0 : index
    %get3A_48 = arith.constant 0 : index
    %get3A_49 = vector.load %arg2[%get3A_46, %get3A_47, %get3A_48] : memref<16x1024x128xf32, #tpu.memory_space<vmem>>, vector<1x1024x128xf32>
    %get3A_50 = vector.shape_cast %get3A_49 : vector<1x1024x128xf32> to vector<1024x128xf32>
    %add3A_51 = arith.addf %get3A_50, %dot_general3A_45 : vector<1024x128xf32>
    %add3A_52 = arith.addf %add3A_51, %get3A_1 : vector<1024x128xf32>
    %convert_element_type3A_53 = arith.truncf %add3A_52 : vector<1024x128xf32> to vector<1024x128xbf16>
    %swap3A_54 = arith.constant 1 : index
    %swap3A_55 = arith.constant 0 : index
    %swap3A_56 = arith.constant 0 : index
    %swap3A_57 = vector.load %arg5[%swap3A_54, %swap3A_55, %swap3A_56] : memref<16x1024x128xbf16, #tpu.memory_space<vmem>>, vector<1x1024x128xbf16>
    %swap3A_58 = vector.shape_cast %swap3A_57 : vector<1x1024x128xbf16> to vector<1024x128xbf16>
    %swap3A_59 = vector.shape_cast %convert_element_type3A_53 : vector<1024x128xbf16> to vector<1x1024x128xbf16>
    tpu.vector_store %arg5[%swap3A_54, %swap3A_55, %swap3A_56], %swap3A_59 {strides = array<i32>} : memref<16x1024x128xbf16, #tpu.memory_space<vmem>>, vector<1x1024x128xbf16>,
    %jit3A_60 = arith.constant 0.000000e+00 : f32
    %broadcast_in_dim3A_61 = vector.broadcast %jit3A_60 : f32 to vector<1024x128xf32>
    %select_n3A_62 = arith.select %lt3A_4, %add3A_52, %broadcast_in_dim3A_61 : vector<1024x128xi1>, vector<1024x128xf32>
    %reduce_sum3A_63 = arith.constant dense<0.000000e+00> : vector<128xf32>
    %reduce_sum3A_64 = vector.multi_reduction <add>, %select_n3A_62, %reduce_sum3A_63 [0] : vector<1024x128xf32> to vector<128xf32>
    %reshape3A_65 = vector.shape_cast %reduce_sum3A_64 : vector<128xf32> to vector<1x128xf32>
    %add3A_66 = arith.addf %add3A_30, %reshape3A_65 : vector<1x128xf32>
    %mul3A_67 = arith.mulf %select_n3A_62, %select_n3A_62 : vector<1024x128xf32>
    %reduce_sum3A_68 = arith.constant dense<0.000000e+00> : vector<128xf32>
    %reduce_sum3A_69 = vector.multi_reduction <add>, %mul3A_67, %reduce_sum3A_68 [0] : vector<1024x128xf32> to vector<128xf32>
    %reshape3A_70 = vector.shape_cast %reduce_sum3A_69 : vector<128xf32> to vector<1x128xf32>
    %add3A_71 = arith.addf %add3A_35, %reshape3A_70 : vector<1x128xf32>
    %get3A_72 = arith.constant 0 : index
    %get3A_73 = arith.constant 2 : index
    %get3A_74 = arith.constant 0 : index
    %get3A_75 = vector.load %arg1[%get3A_72, %get3A_73, %get3A_74] : memref<41x16x1024xf32, #tpu.memory_space<vmem>>, vector<41x1x1024xf32>
    %get3A_76 = vector.shape_cast %get3A_75 : vector<41x1x1024xf32> to vector<41x1024xf32>
    %get3A_77 = arith.constant 0 : index
    %get3A_78 = arith.constant 0 : index
    %get3A_79 = vector.load %arg4[%get3A_77, %get3A_78] : memref<41x128xf32, #tpu.memory_space<vmem>>, vector<41x128xf32>
    %dot_general3A_80 = arith.constant dense<0.000000e+00> : vector<1024x128xf32>
    %dot_general3A_81 = tpu.matmul %get3A_76, %get3A_79, %dot_general3A_80 {dimension_numbers = #tpu.dot_dimension_numbers<[0], [0], [1], [1], [0, 1, 1, 1], [], []>, transpose_lhs_hint = false} : vector<41x1024xf32>, vector<41x128xf32>, vector<1024x128xf32> -> vector<1024x128xf32>
    %get3A_82 = arith.constant 2 : index
    %get3A_83 = arith.constant 0 : index
    %get3A_84 = arith.constant 0 : index
    %get3A_85 = vector.load %arg2[%get3A_82, %get3A_83, %get3A_84] : memref<16x1024x128xf32, #tpu.memory_space<vmem>>, vector<1x1024x128xf32>
    %get3A_86 = vector.shape_cast %get3A_85 : vector<1x1024x128xf32> to vector<1024x128xf32>
    %add3A_87 = arith.addf %get3A_86, %dot_general3A_81 : vector<1024x128xf32>
    %add3A_88 = arith.addf %add3A_87, %get3A_1 : vector<1024x128xf32>
    %convert_element_type3A_89 = arith.truncf %add3A_88 : vector<1024x128xf32> to vector<1024x128xbf16>
    %swap3A_90 = arith.constant 2 : index
    %swap3A_91 = arith.constant 0 : index
    %swap3A_92 = arith.constant 0 : index
    %swap3A_93 = vector.load %arg5[%swap3A_90, %swap3A_91, %swap3A_92] : memref<16x1024x128xbf16, #tpu.memory_space<vmem>>, vector<1x1024x128xbf16>
    %swap3A_94 = vector.shape_cast %swap3A_93 : vector<1x1024x128xbf16> to vector<1024x128xbf16>
    %swap3A_95 = vector.shape_cast %convert_element_type3A_89 : vector<1024x128xbf16> to vector<1x1024x128xbf16>
    tpu.vector_store %arg5[%swap3A_90, %swap3A_91, %swap3A_92], %swap3A_95 {strides = array<i32>} : memref<16x1024x128xbf16, #tpu.memory_space<vmem>>, vector<1x1024x128xbf16>,
    %jit3A_96 = arith.constant 0.000000e+00 : f32
    %broadcast_in_dim3A_97 = vector.broadcast %jit3A_96 : f32 to vector<1024x128xf32>
    %select_n3A_98 = arith.select %lt3A_4, %add3A_88, %broadcast_in_dim3A_97 : vector<1024x128xi1>, vector<1024x128xf32>
    %reduce_sum3A_99 = arith.constant dense<0.000000e+00> : vector<128xf32>
    %reduce_sum3A_100 = vector.multi_reduction <add>, %select_n3A_98, %reduce_sum3A_99 [0] : vector<1024x128xf32> to vector<128xf32>
    %reshape3A_101 = vector.shape_cast %reduce_sum3A_100 : vector<128xf32> to vector<1x128xf32>
    %add3A_102 = arith.addf %add3A_66, %reshape3A_101 : vector<1x128xf32>
    %mul3A_103 = arith.mulf %select_n3A_98, %select_n3A_98 : vector<1024x128xf32>
    %reduce_sum3A_104 = arith.constant dense<0.000000e+00> : vector<128xf32>
    %reduce_sum3A_105 = vector.multi_reduction <add>, %mul3A_103, %reduce_sum3A_104 [0] : vector<1024x128xf32> to vector<128xf32>
    %reshape3A_106 = vector.shape_cast %reduce_sum3A_105 : vector<128xf32> to vector<1x128xf32>
    %add3A_107 = arith.addf %add3A_71, %reshape3A_106 : vector<1x128xf32>
    %get3A_108 = arith.constant 0 : index
    %get3A_109 = arith.constant 3 : index
    %get3A_110 = arith.constant 0 : index
    %get3A_111 = vector.load %arg1[%get3A_108, %get3A_109, %get3A_110] : memref<41x16x1024xf32, #tpu.memory_space<vmem>>, vector<41x1x1024xf32>
    %get3A_112 = vector.shape_cast %get3A_111 : vector<41x1x1024xf32> to vector<41x1024xf32>
    %get3A_113 = arith.constant 0 : index
    %get3A_114 = arith.constant 0 : index
    %get3A_115 = vector.load %arg4[%get3A_113, %get3A_114] : memref<41x128xf32, #tpu.memory_space<vmem>>, vector<41x128xf32>
    %dot_general3A_116 = arith.constant dense<0.000000e+00> : vector<1024x128xf32>
    %dot_general3A_117 = tpu.matmul %get3A_112, %get3A_115, %dot_general3A_116 {dimension_numbers = #tpu.dot_dimension_numbers<[0], [0], [1], [1], [0, 1, 1, 1], [], []>, transpose_lhs_hint = false} : vector<41x1024xf32>, vector<41x128xf32>, vector<1024x128xf32> -> vector<1024x128xf32>
    %get3A_118 = arith.constant 3 : index
    %get3A_119 = arith.constant 0 : index
    %get3A_120 = arith.constant 0 : index
    %get3A_121 = vector.load %arg2[%get3A_118, %get3A_119, %get3A_120] : memref<16x1024x128xf32, #tpu.memory_space<vmem>>, vector<1x1024x128xf32>
    %get3A_122 = vector.shape_cast %get3A_121 : vector<1x1024x128xf32> to vector<1024x128xf32>
    %add3A_123 = arith.addf %get3A_122, %dot_general3A_117 : vector<1024x128xf32>
    %add3A_124 = arith.addf %add3A_123, %get3A_1 : vector<1024x128xf32>
    %convert_element_type3A_125 = arith.truncf %add3A_124 : vector<1024x128xf32> to vector<1024x128xbf16>
    %swap3A_126 = arith.constant 3 : index
    %swap3A_127 = arith.constant 0 : index
    %swap3A_128 = arith.constant 0 : index
    %swap3A_129 = vector.load %arg5[%swap3A_126, %swap3A_127, %swap3A_128] : memref<16x1024x128xbf16, #tpu.memory_space<vmem>>, vector<1x1024x128xbf16>
    %swap3A_130 = vector.shape_cast %swap3A_129 : vector<1x1024x128xbf16> to vector<1024x128xbf16>
    %swap3A_131 = vector.shape_cast %convert_element_type3A_125 : vector<1024x128xbf16> to vector<1x1024x128xbf16>
    tpu.vector_store %arg5[%swap3A_126, %swap3A_127, %swap3A_128], %swap3A_131 {strides = array<i32>} : memref<16x1024x128xbf16, #tpu.memory_space<vmem>>, vector<1x1024x128xbf16>,
    %jit3A_132 = arith.constant 0.000000e+00 : f32
    %broadcast_in_dim3A_133 = vector.broadcast %jit3A_132 : f32 to vector<1024x128xf32>
    %select_n3A_134 = arith.select %lt3A_4, %add3A_124, %broadcast_in_dim3A_133 : vector<1024x128xi1>, vector<1024x128xf32>
    %reduce_sum3A_135 = arith.constant dense<0.000000e+00> : vector<128xf32>
    %reduce_sum3A_136 = vector.multi_reduction <add>, %select_n3A_134, %reduce_sum3A_135 [0] : vector<1024x128xf32> to vector<128xf32>
    %reshape3A_137 = vector.shape_cast %reduce_sum3A_136 : vector<128xf32> to vector<1x128xf32>
    %add3A_138 = arith.addf %add3A_102, %reshape3A_137 : vector<1x128xf32>
    %mul3A_139 = arith.mulf %select_n3A_134, %select_n3A_134 : vector<1024x128xf32>
    %reduce_sum3A_140 = arith.constant dense<0.000000e+00> : vector<128xf32>
    %reduce_sum3A_141 = vector.multi_reduction <add>, %mul3A_139, %reduce_sum3A_140 [0] : vector<1024x128xf32> to vector<128xf32>
    %reshape3A_142 = vector.shape_cast %reduce_sum3A_141 : vector<128xf32> to vector<1x128xf32>
    %add3A_143 = arith.addf %add3A_107, %reshape3A_142 : vector<1x128xf32>
    %get3A_144 = arith.constant 0 : index
    %get3A_145 = arith.constant 4 : index
    %get3A_146 = arith.constant 0 : index
    %get3A_147 = vector.load %arg1[%get3A_144, %get3A_145, %get3A_146] : memref<41x16x1024xf32, #tpu.memory_space<vmem>>, vector<41x1x1024xf32>
    %get3A_148 = vector.shape_cast %get3A_147 : vector<41x1x1024xf32> to vector<41x1024xf32>
    %get3A_149 = arith.constant 0 : index
    %get3A_150 = arith.constant 0 : index
    %get3A_151 = vector.load %arg4[%get3A_149, %get3A_150] : memref<41x128xf32, #tpu.memory_space<vmem>>, vector<41x128xf32>
    %dot_general3A_152 = arith.constant dense<0.000000e+00> : vector<1024x128xf32>
    %dot_general3A_153 = tpu.matmul %get3A_148, %get3A_151, %dot_general3A_152 {dimension_numbers = #tpu.dot_dimension_numbers<[0], [0], [1], [1], [0, 1, 1, 1], [], []>, transpose_lhs_hint = false} : vector<41x1024xf32>, vector<41x128xf32>, vector<1024x128xf32> -> vector<1024x128xf32>
    %get3A_154 = arith.constant 4 : index
    %get3A_155 = arith.constant 0 : index
    %get3A_156 = arith.constant 0 : index
    %get3A_157 = vector.load %arg2[%get3A_154, %get3A_155, %get3A_156] : memref<16x1024x128xf32, #tpu.memory_space<vmem>>, vector<1x1024x128xf32>
    %get3A_158 = vector.shape_cast %get3A_157 : vector<1x1024x128xf32> to vector<1024x128xf32>
    %add3A_159 = arith.addf %get3A_158, %dot_general3A_153 : vector<1024x128xf32>
    %add3A_160 = arith.addf %add3A_159, %get3A_1 : vector<1024x128xf32>
    %convert_element_type3A_161 = arith.truncf %add3A_160 : vector<1024x128xf32> to vector<1024x128xbf16>
    %swap3A_162 = arith.constant 4 : index
    %swap3A_163 = arith.constant 0 : index
    %swap3A_164 = arith.constant 0 : index
    %swap3A_165 = vector.load %arg5[%swap3A_162, %swap3A_163, %swap3A_164] : memref<16x1024x128xbf16, #tpu.memory_space<vmem>>, vector<1x1024x128xbf16>
    %swap3A_166 = vector.shape_cast %swap3A_165 : vector<1x1024x128xbf16> to vector<1024x128xbf16>
    %swap3A_167 = vector.shape_cast %convert_element_type3A_161 : vector<1024x128xbf16> to vector<1x1024x128xbf16>
    tpu.vector_store %arg5[%swap3A_162, %swap3A_163, %swap3A_164], %swap3A_167 {strides = array<i32>} : memref<16x1024x128xbf16, #tpu.memory_space<vmem>>, vector<1x1024x128xbf16>,
    %jit3A_168 = arith.constant 0.000000e+00 : f32
    %broadcast_in_dim3A_169 = vector.broadcast %jit3A_168 : f32 to vector<1024x128xf32>
    %select_n3A_170 = arith.select %lt3A_4, %add3A_160, %broadcast_in_dim3A_169 : vector<1024x128xi1>, vector<1024x128xf32>
    %reduce_sum3A_171 = arith.constant dense<0.000000e+00> : vector<128xf32>
    %reduce_sum3A_172 = vector.multi_reduction <add>, %select_n3A_170, %reduce_sum3A_171 [0] : vector<1024x128xf32> to vector<128xf32>
    %reshape3A_173 = vector.shape_cast %reduce_sum3A_172 : vector<128xf32> to vector<1x128xf32>
    %add3A_174 = arith.addf %add3A_138, %reshape3A_173 : vector<1x128xf32>
    %mul3A_175 = arith.mulf %select_n3A_170, %select_n3A_170 : vector<1024x128xf32>
    %reduce_sum3A_176 = arith.constant dense<0.000000e+00> : vector<128xf32>
    %reduce_sum3A_177 = vector.multi_reduction <add>, %mul3A_175, %reduce_sum3A_176 [0] : vector<1024x128xf32> to vector<128xf32>
    %reshape3A_178 = vector.shape_cast %reduce_sum3A_177 : vector<128xf32> to vector<1x128xf32>
    %add3A_179 = arith.addf %add3A_143, %reshape3A_178 : vector<1x128xf32>
    %get3A_180 = arith.constant 0 : index
    %get3A_181 = arith.constant 5 : index
    %get3A_182 = arith.constant 0 : index
    %get3A_183 = vector.load %arg1[%get3A_180, %get3A_181, %get3A_182] : memref<41x16x1024xf32, #tpu.memory_space<vmem>>, vector<41x1x1024xf32>
    %get3A_184 = vector.shape_cast %get3A_183 : vector<41x1x1024xf32> to vector<41x1024xf32>
    %get3A_185 = arith.constant 0 : index
    %get3A_186 = arith.constant 0 : index
    %get3A_187 = vector.load %arg4[%get3A_185, %get3A_186] : memref<41x128xf32, #tpu.memory_space<vmem>>, vector<41x128xf32>
    %dot_general3A_188 = arith.constant dense<0.000000e+00> : vector<1024x128xf32>
    %dot_general3A_189 = tpu.matmul %get3A_184, %get3A_187, %dot_general3A_188 {dimension_numbers = #tpu.dot_dimension_numbers<[0], [0], [1], [1], [0, 1, 1, 1], [], []>, transpose_lhs_hint = false} : vector<41x1024xf32>, vector<41x128xf32>, vector<1024x128xf32> -> vector<1024x128xf32>
    %get3A_190 = arith.constant 5 : index
    %get3A_191 = arith.constant 0 : index
    %get3A_192 = arith.constant 0 : index
    %get3A_193 = vector.load %arg2[%get3A_190, %get3A_191, %get3A_192] : memref<16x1024x128xf32, #tpu.memory_space<vmem>>, vector<1x1024x128xf32>
    %get3A_194 = vector.shape_cast %get3A_193 : vector<1x1024x128xf32> to vector<1024x128xf32>
    %add3A_195 = arith.addf %get3A_194, %dot_general3A_189 : vector<1024x128xf32>
    %add3A_196 = arith.addf %add3A_195, %get3A_1 : vector<1024x128xf32>
    %convert_element_type3A_197 = arith.truncf %add3A_196 : vector<1024x128xf32> to vector<1024x128xbf16>
    %swap3A_198 = arith.constant 5 : index
    %swap3A_199 = arith.constant 0 : index
    %swap3A_200 = arith.constant 0 : index
    %swap3A_201 = vector.load %arg5[%swap3A_198, %swap3A_199, %swap3A_200] : memref<16x1024x128xbf16, #tpu.memory_space<vmem>>, vector<1x1024x128xbf16>
    %swap3A_202 = vector.shape_cast %swap3A_201 : vector<1x1024x128xbf16> to vector<1024x128xbf16>
    %swap3A_203 = vector.shape_cast %convert_element_type3A_197 : vector<1024x128xbf16> to vector<1x1024x128xbf16>
    tpu.vector_store %arg5[%swap3A_198, %swap3A_199, %swap3A_200], %swap3A_203 {strides = array<i32>} : memref<16x1024x128xbf16, #tpu.memory_space<vmem>>, vector<1x1024x128xbf16>,
    %jit3A_204 = arith.constant 0.000000e+00 : f32
    %broadcast_in_dim3A_205 = vector.broadcast %jit3A_204 : f32 to vector<1024x128xf32>
    %select_n3A_206 = arith.select %lt3A_4, %add3A_196, %broadcast_in_dim3A_205 : vector<1024x128xi1>, vector<1024x128xf32>
    %reduce_sum3A_207 = arith.constant dense<0.000000e+00> : vector<128xf32>
    %reduce_sum3A_208 = vector.multi_reduction <add>, %select_n3A_206, %reduce_sum3A_207 [0] : vector<1024x128xf32> to vector<128xf32>
    %reshape3A_209 = vector.shape_cast %reduce_sum3A_208 : vector<128xf32> to vector<1x128xf32>
    %add3A_210 = arith.addf %add3A_174, %reshape3A_209 : vector<1x128xf32>
    %mul3A_211 = arith.mulf %select_n3A_206, %select_n3A_206 : vector<1024x128xf32>
    %reduce_sum3A_212 = arith.constant dense<0.000000e+00> : vector<128xf32>
    %reduce_sum3A_213 = vector.multi_reduction <add>, %mul3A_211, %reduce_sum3A_212 [0] : vector<1024x128xf32> to vector<128xf32>
    %reshape3A_214 = vector.shape_cast %reduce_sum3A_213 : vector<128xf32> to vector<1x128xf32>
    %add3A_215 = arith.addf %add3A_179, %reshape3A_214 : vector<1x128xf32>
    %get3A_216 = arith.constant 0 : index
    %get3A_217 = arith.constant 6 : index
    %get3A_218 = arith.constant 0 : index
    %get3A_219 = vector.load %arg1[%get3A_216, %get3A_217, %get3A_218] : memref<41x16x1024xf32, #tpu.memory_space<vmem>>, vector<41x1x1024xf32>
    %get3A_220 = vector.shape_cast %get3A_219 : vector<41x1x1024xf32> to vector<41x1024xf32>
    %get3A_221 = arith.constant 0 : index
    %get3A_222 = arith.constant 0 : index
    %get3A_223 = vector.load %arg4[%get3A_221, %get3A_222] : memref<41x128xf32, #tpu.memory_space<vmem>>, vector<41x128xf32>
    %dot_general3A_224 = arith.constant dense<0.000000e+00> : vector<1024x128xf32>
    %dot_general3A_225 = tpu.matmul %get3A_220, %get3A_223, %dot_general3A_224 {dimension_numbers = #tpu.dot_dimension_numbers<[0], [0], [1], [1], [0, 1, 1, 1], [], []>, transpose_lhs_hint = false} : vector<41x1024xf32>, vector<41x128xf32>, vector<1024x128xf32> -> vector<1024x128xf32>
    %get3A_226 = arith.constant 6 : index
    %get3A_227 = arith.constant 0 : index
    %get3A_228 = arith.constant 0 : index
    %get3A_229 = vector.load %arg2[%get3A_226, %get3A_227, %get3A_228] : memref<16x1024x128xf32, #tpu.memory_space<vmem>>, vector<1x1024x128xf32>
    %get3A_230 = vector.shape_cast %get3A_229 : vector<1x1024x128xf32> to vector<1024x128xf32>
    %add3A_231 = arith.addf %get3A_230, %dot_general3A_225 : vector<1024x128xf32>
    %add3A_232 = arith.addf %add3A_231, %get3A_1 : vector<1024x128xf32>
    %convert_element_type3A_233 = arith.truncf %add3A_232 : vector<1024x128xf32> to vector<1024x128xbf16>
    %swap3A_234 = arith.constant 6 : index
    %swap3A_235 = arith.constant 0 : index
    %swap3A_236 = arith.constant 0 : index
    %swap3A_237 = vector.load %arg5[%swap3A_234, %swap3A_235, %swap3A_236] : memref<16x1024x128xbf16, #tpu.memory_space<vmem>>, vector<1x1024x128xbf16>
    %swap3A_238 = vector.shape_cast %swap3A_237 : vector<1x1024x128xbf16> to vector<1024x128xbf16>
    %swap3A_239 = vector.shape_cast %convert_element_type3A_233 : vector<1024x128xbf16> to vector<1x1024x128xbf16>
    tpu.vector_store %arg5[%swap3A_234, %swap3A_235, %swap3A_236], %swap3A_239 {strides = array<i32>} : memref<16x1024x128xbf16, #tpu.memory_space<vmem>>, vector<1x1024x128xbf16>,
    %jit3A_240 = arith.constant 0.000000e+00 : f32
    %broadcast_in_dim3A_241 = vector.broadcast %jit3A_240 : f32 to vector<1024x128xf32>
    %select_n3A_242 = arith.select %lt3A_4, %add3A_232, %broadcast_in_dim3A_241 : vector<1024x128xi1>, vector<1024x128xf32>
    %reduce_sum3A_243 = arith.constant dense<0.000000e+00> : vector<128xf32>
    %reduce_sum3A_244 = vector.multi_reduction <add>, %select_n3A_242, %reduce_sum3A_243 [0] : vector<1024x128xf32> to vector<128xf32>
    %reshape3A_245 = vector.shape_cast %reduce_sum3A_244 : vector<128xf32> to vector<1x128xf32>
    %add3A_246 = arith.addf %add3A_210, %reshape3A_245 : vector<1x128xf32>
    %mul3A_247 = arith.mulf %select_n3A_242, %select_n3A_242 : vector<1024x128xf32>
    %reduce_sum3A_248 = arith.constant dense<0.000000e+00> : vector<128xf32>
    %reduce_sum3A_249 = vector.multi_reduction <add>, %mul3A_247, %reduce_sum3A_248 [0] : vector<1024x128xf32> to vector<128xf32>
    %reshape3A_250 = vector.shape_cast %reduce_sum3A_249 : vector<128xf32> to vector<1x128xf32>
    %add3A_251 = arith.addf %add3A_215, %reshape3A_250 : vector<1x128xf32>
    %get3A_252 = arith.constant 0 : index
    %get3A_253 = arith.constant 7 : index
    %get3A_254 = arith.constant 0 : index
    %get3A_255 = vector.load %arg1[%get3A_252, %get3A_253, %get3A_254] : memref<41x16x1024xf32, #tpu.memory_space<vmem>>, vector<41x1x1024xf32>
    %get3A_256 = vector.shape_cast %get3A_255 : vector<41x1x1024xf32> to vector<41x1024xf32>
    %get3A_257 = arith.constant 0 : index
    %get3A_258 = arith.constant 0 : index
    %get3A_259 = vector.load %arg4[%get3A_257, %get3A_258] : memref<41x128xf32, #tpu.memory_space<vmem>>, vector<41x128xf32>
    %dot_general3A_260 = arith.constant dense<0.000000e+00> : vector<1024x128xf32>
    %dot_general3A_261 = tpu.matmul %get3A_256, %get3A_259, %dot_general3A_260 {dimension_numbers = #tpu.dot_dimension_numbers<[0], [0], [1], [1], [0, 1, 1, 1], [], []>, transpose_lhs_hint = false} : vector<41x1024xf32>, vector<41x128xf32>, vector<1024x128xf32> -> vector<1024x128xf32>
    %get3A_262 = arith.constant 7 : index
    %get3A_263 = arith.constant 0 : index
    %get3A_264 = arith.constant 0 : index
    %get3A_265 = vector.load %arg2[%get3A_262, %get3A_263, %get3A_264] : memref<16x1024x128xf32, #tpu.memory_space<vmem>>, vector<1x1024x128xf32>
    %get3A_266 = vector.shape_cast %get3A_265 : vector<1x1024x128xf32> to vector<1024x128xf32>
    %add3A_267 = arith.addf %get3A_266, %dot_general3A_261 : vector<1024x128xf32>
    %add3A_268 = arith.addf %add3A_267, %get3A_1 : vector<1024x128xf32>
    %convert_element_type3A_269 = arith.truncf %add3A_268 : vector<1024x128xf32> to vector<1024x128xbf16>
    %swap3A_270 = arith.constant 7 : index
    %swap3A_271 = arith.constant 0 : index
    %swap3A_272 = arith.constant 0 : index
    %swap3A_273 = vector.load %arg5[%swap3A_270, %swap3A_271, %swap3A_272] : memref<16x1024x128xbf16, #tpu.memory_space<vmem>>, vector<1x1024x128xbf16>
    %swap3A_274 = vector.shape_cast %swap3A_273 : vector<1x1024x128xbf16> to vector<1024x128xbf16>
    %swap3A_275 = vector.shape_cast %convert_element_type3A_269 : vector<1024x128xbf16> to vector<1x1024x128xbf16>
    tpu.vector_store %arg5[%swap3A_270, %swap3A_271, %swap3A_272], %swap3A_275 {strides = array<i32>} : memref<16x1024x128xbf16, #tpu.memory_space<vmem>>, vector<1x1024x128xbf16>,
    %jit3A_276 = arith.constant 0.000000e+00 : f32
    %broadcast_in_dim3A_277 = vector.broadcast %jit3A_276 : f32 to vector<1024x128xf32>
    %select_n3A_278 = arith.select %lt3A_4, %add3A_268, %broadcast_in_dim3A_277 : vector<1024x128xi1>, vector<1024x128xf32>
    %reduce_sum3A_279 = arith.constant dense<0.000000e+00> : vector<128xf32>
    %reduce_sum3A_280 = vector.multi_reduction <add>, %select_n3A_278, %reduce_sum3A_279 [0] : vector<1024x128xf32> to vector<128xf32>
    %reshape3A_281 = vector.shape_cast %reduce_sum3A_280 : vector<128xf32> to vector<1x128xf32>
    %add3A_282 = arith.addf %add3A_246, %reshape3A_281 : vector<1x128xf32>
    %mul3A_283 = arith.mulf %select_n3A_278, %select_n3A_278 : vector<1024x128xf32>
    %reduce_sum3A_284 = arith.constant dense<0.000000e+00> : vector<128xf32>
    %reduce_sum3A_285 = vector.multi_reduction <add>, %mul3A_283, %reduce_sum3A_284 [0] : vector<1024x128xf32> to vector<128xf32>
    %reshape3A_286 = vector.shape_cast %reduce_sum3A_285 : vector<128xf32> to vector<1x128xf32>
    %add3A_287 = arith.addf %add3A_251, %reshape3A_286 : vector<1x128xf32>
    %get3A_288 = arith.constant 0 : index
    %get3A_289 = arith.constant 8 : index
    %get3A_290 = arith.constant 0 : index
    %get3A_291 = vector.load %arg1[%get3A_288, %get3A_289, %get3A_290] : memref<41x16x1024xf32, #tpu.memory_space<vmem>>, vector<41x1x1024xf32>
    %get3A_292 = vector.shape_cast %get3A_291 : vector<41x1x1024xf32> to vector<41x1024xf32>
    %get3A_293 = arith.constant 0 : index
    %get3A_294 = arith.constant 0 : index
    %get3A_295 = vector.load %arg4[%get3A_293, %get3A_294] : memref<41x128xf32, #tpu.memory_space<vmem>>, vector<41x128xf32>
    %dot_general3A_296 = arith.constant dense<0.000000e+00> : vector<1024x128xf32>
    %dot_general3A_297 = tpu.matmul %get3A_292, %get3A_295, %dot_general3A_296 {dimension_numbers = #tpu.dot_dimension_numbers<[0], [0], [1], [1], [0, 1, 1, 1], [], []>, transpose_lhs_hint = false} : vector<41x1024xf32>, vector<41x128xf32>, vector<1024x128xf32> -> vector<1024x128xf32>
    %get3A_298 = arith.constant 8 : index
    %get3A_299 = arith.constant 0 : index
    %get3A_300 = arith.constant 0 : index
    %get3A_301 = vector.load %arg2[%get3A_298, %get3A_299, %get3A_300] : memref<16x1024x128xf32, #tpu.memory_space<vmem>>, vector<1x1024x128xf32>
    %get3A_302 = vector.shape_cast %get3A_301 : vector<1x1024x128xf32> to vector<1024x128xf32>
    %add3A_303 = arith.addf %get3A_302, %dot_general3A_297 : vector<1024x128xf32>
    %add3A_304 = arith.addf %add3A_303, %get3A_1 : vector<1024x128xf32>
    %convert_element_type3A_305 = arith.truncf %add3A_304 : vector<1024x128xf32> to vector<1024x128xbf16>
    %swap3A_306 = arith.constant 8 : index
    %swap3A_307 = arith.constant 0 : index
    %swap3A_308 = arith.constant 0 : index
    %swap3A_309 = vector.load %arg5[%swap3A_306, %swap3A_307, %swap3A_308] : memref<16x1024x128xbf16, #tpu.memory_space<vmem>>, vector<1x1024x128xbf16>
    %swap3A_310 = vector.shape_cast %swap3A_309 : vector<1x1024x128xbf16> to vector<1024x128xbf16>
    %swap3A_311 = vector.shape_cast %convert_element_type3A_305 : vector<1024x128xbf16> to vector<1x1024x128xbf16>
    tpu.vector_store %arg5[%swap3A_306, %swap3A_307, %swap3A_308], %swap3A_311 {strides = array<i32>} : memref<16x1024x128xbf16, #tpu.memory_space<vmem>>, vector<1x1024x128xbf16>,
    %jit3A_312 = arith.constant 0.000000e+00 : f32
    %broadcast_in_dim3A_313 = vector.broadcast %jit3A_312 : f32 to vector<1024x128xf32>
    %select_n3A_314 = arith.select %lt3A_4, %add3A_304, %broadcast_in_dim3A_313 : vector<1024x128xi1>, vector<1024x128xf32>
    %reduce_sum3A_315 = arith.constant dense<0.000000e+00> : vector<128xf32>
    %reduce_sum3A_316 = vector.multi_reduction <add>, %select_n3A_314, %reduce_sum3A_315 [0] : vector<1024x128xf32> to vector<128xf32>
    %reshape3A_317 = vector.shape_cast %reduce_sum3A_316 : vector<128xf32> to vector<1x128xf32>
    %add3A_318 = arith.addf %add3A_282, %reshape3A_317 : vector<1x128xf32>
    %mul3A_319 = arith.mulf %select_n3A_314, %select_n3A_314 : vector<1024x128xf32>
    %reduce_sum3A_320 = arith.constant dense<0.000000e+00> : vector<128xf32>
    %reduce_sum3A_321 = vector.multi_reduction <add>, %mul3A_319, %reduce_sum3A_320 [0] : vector<1024x128xf32> to vector<128xf32>
    %reshape3A_322 = vector.shape_cast %reduce_sum3A_321 : vector<128xf32> to vector<1x128xf32>
    %add3A_323 = arith.addf %add3A_287, %reshape3A_322 : vector<1x128xf32>
    %get3A_324 = arith.constant 0 : index
    %get3A_325 = arith.constant 9 : index
    %get3A_326 = arith.constant 0 : index
    %get3A_327 = vector.load %arg1[%get3A_324, %get3A_325, %get3A_326] : memref<41x16x1024xf32, #tpu.memory_space<vmem>>, vector<41x1x1024xf32>
    %get3A_328 = vector.shape_cast %get3A_327 : vector<41x1x1024xf32> to vector<41x1024xf32>
    %get3A_329 = arith.constant 0 : index
    %get3A_330 = arith.constant 0 : index
    %get3A_331 = vector.load %arg4[%get3A_329, %get3A_330] : memref<41x128xf32, #tpu.memory_space<vmem>>, vector<41x128xf32>
    %dot_general3A_332 = arith.constant dense<0.000000e+00> : vector<1024x128xf32>
    %dot_general3A_333 = tpu.matmul %get3A_328, %get3A_331, %dot_general3A_332 {dimension_numbers = #tpu.dot_dimension_numbers<[0], [0], [1], [1], [0, 1, 1, 1], [], []>, transpose_lhs_hint = false} : vector<41x1024xf32>, vector<41x128xf32>, vector<1024x128xf32> -> vector<1024x128xf32>
    %get3A_334 = arith.constant 9 : index
    %get3A_335 = arith.constant 0 : index
    %get3A_336 = arith.constant 0 : index
    %get3A_337 = vector.load %arg2[%get3A_334, %get3A_335, %get3A_336] : memref<16x1024x128xf32, #tpu.memory_space<vmem>>, vector<1x1024x128xf32>
    %get3A_338 = vector.shape_cast %get3A_337 : vector<1x1024x128xf32> to vector<1024x128xf32>
    %add3A_339 = arith.addf %get3A_338, %dot_general3A_333 : vector<1024x128xf32>
    %add3A_340 = arith.addf %add3A_339, %get3A_1 : vector<1024x128xf32>
    %convert_element_type3A_341 = arith.truncf %add3A_340 : vector<1024x128xf32> to vector<1024x128xbf16>
    %swap3A_342 = arith.constant 9 : index
    %swap3A_343 = arith.constant 0 : index
    %swap3A_344 = arith.constant 0 : index
    %swap3A_345 = vector.load %arg5[%swap3A_342, %swap3A_343, %swap3A_344] : memref<16x1024x128xbf16, #tpu.memory_space<vmem>>, vector<1x1024x128xbf16>
    %swap3A_346 = vector.shape_cast %swap3A_345 : vector<1x1024x128xbf16> to vector<1024x128xbf16>
    %swap3A_347 = vector.shape_cast %convert_element_type3A_341 : vector<1024x128xbf16> to vector<1x1024x128xbf16>
    tpu.vector_store %arg5[%swap3A_342, %swap3A_343, %swap3A_344], %swap3A_347 {strides = array<i32>} : memref<16x1024x128xbf16, #tpu.memory_space<vmem>>, vector<1x1024x128xbf16>,
    %jit3A_348 = arith.constant 0.000000e+00 : f32
    %broadcast_in_dim3A_349 = vector.broadcast %jit3A_348 : f32 to vector<1024x128xf32>
    %select_n3A_350 = arith.select %lt3A_4, %add3A_340, %broadcast_in_dim3A_349 : vector<1024x128xi1>, vector<1024x128xf32>
    %reduce_sum3A_351 = arith.constant dense<0.000000e+00> : vector<128xf32>
    %reduce_sum3A_352 = vector.multi_reduction <add>, %select_n3A_350, %reduce_sum3A_351 [0] : vector<1024x128xf32> to vector<128xf32>
    %reshape3A_353 = vector.shape_cast %reduce_sum3A_352 : vector<128xf32> to vector<1x128xf32>
    %add3A_354 = arith.addf %add3A_318, %reshape3A_353 : vector<1x128xf32>
    %mul3A_355 = arith.mulf %select_n3A_350, %select_n3A_350 : vector<1024x128xf32>
    %reduce_sum3A_356 = arith.constant dense<0.000000e+00> : vector<128xf32>
    %reduce_sum3A_357 = vector.multi_reduction <add>, %mul3A_355, %reduce_sum3A_356 [0] : vector<1024x128xf32> to vector<128xf32>
    %reshape3A_358 = vector.shape_cast %reduce_sum3A_357 : vector<128xf32> to vector<1x128xf32>
    %add3A_359 = arith.addf %add3A_323, %reshape3A_358 : vector<1x128xf32>
    %get3A_360 = arith.constant 0 : index
    %get3A_361 = arith.constant 10 : index
    %get3A_362 = arith.constant 0 : index
    %get3A_363 = vector.load %arg1[%get3A_360, %get3A_361, %get3A_362] : memref<41x16x1024xf32, #tpu.memory_space<vmem>>, vector<41x1x1024xf32>
    %get3A_364 = vector.shape_cast %get3A_363 : vector<41x1x1024xf32> to vector<41x1024xf32>
    %get3A_365 = arith.constant 0 : index
    %get3A_366 = arith.constant 0 : index
    %get3A_367 = vector.load %arg4[%get3A_365, %get3A_366] : memref<41x128xf32, #tpu.memory_space<vmem>>, vector<41x128xf32>
    %dot_general3A_368 = arith.constant dense<0.000000e+00> : vector<1024x128xf32>
    %dot_general3A_369 = tpu.matmul %get3A_364, %get3A_367, %dot_general3A_368 {dimension_numbers = #tpu.dot_dimension_numbers<[0], [0], [1], [1], [0, 1, 1, 1], [], []>, transpose_lhs_hint = false} : vector<41x1024xf32>, vector<41x128xf32>, vector<1024x128xf32> -> vector<1024x128xf32>
    %get3A_370 = arith.constant 10 : index
    %get3A_371 = arith.constant 0 : index
    %get3A_372 = arith.constant 0 : index
    %get3A_373 = vector.load %arg2[%get3A_370, %get3A_371, %get3A_372] : memref<16x1024x128xf32, #tpu.memory_space<vmem>>, vector<1x1024x128xf32>
    %get3A_374 = vector.shape_cast %get3A_373 : vector<1x1024x128xf32> to vector<1024x128xf32>
    %add3A_375 = arith.addf %get3A_374, %dot_general3A_369 : vector<1024x128xf32>
    %add3A_376 = arith.addf %add3A_375, %get3A_1 : vector<1024x128xf32>
    %convert_element_type3A_377 = arith.truncf %add3A_376 : vector<1024x128xf32> to vector<1024x128xbf16>
    %swap3A_378 = arith.constant 10 : index
    %swap3A_379 = arith.constant 0 : index
    %swap3A_380 = arith.constant 0 : index
    %swap3A_381 = vector.load %arg5[%swap3A_378, %swap3A_379, %swap3A_380] : memref<16x1024x128xbf16, #tpu.memory_space<vmem>>, vector<1x1024x128xbf16>
    %swap3A_382 = vector.shape_cast %swap3A_381 : vector<1x1024x128xbf16> to vector<1024x128xbf16>
    %swap3A_383 = vector.shape_cast %convert_element_type3A_377 : vector<1024x128xbf16> to vector<1x1024x128xbf16>
    tpu.vector_store %arg5[%swap3A_378, %swap3A_379, %swap3A_380], %swap3A_383 {strides = array<i32>} : memref<16x1024x128xbf16, #tpu.memory_space<vmem>>, vector<1x1024x128xbf16>,
    %jit3A_384 = arith.constant 0.000000e+00 : f32
    %broadcast_in_dim3A_385 = vector.broadcast %jit3A_384 : f32 to vector<1024x128xf32>
    %select_n3A_386 = arith.select %lt3A_4, %add3A_376, %broadcast_in_dim3A_385 : vector<1024x128xi1>, vector<1024x128xf32>
    %reduce_sum3A_387 = arith.constant dense<0.000000e+00> : vector<128xf32>
    %reduce_sum3A_388 = vector.multi_reduction <add>, %select_n3A_386, %reduce_sum3A_387 [0] : vector<1024x128xf32> to vector<128xf32>
    %reshape3A_389 = vector.shape_cast %reduce_sum3A_388 : vector<128xf32> to vector<1x128xf32>
    %add3A_390 = arith.addf %add3A_354, %reshape3A_389 : vector<1x128xf32>
    %mul3A_391 = arith.mulf %select_n3A_386, %select_n3A_386 : vector<1024x128xf32>
    %reduce_sum3A_392 = arith.constant dense<0.000000e+00> : vector<128xf32>
    %reduce_sum3A_393 = vector.multi_reduction <add>, %mul3A_391, %reduce_sum3A_392 [0] : vector<1024x128xf32> to vector<128xf32>
    %reshape3A_394 = vector.shape_cast %reduce_sum3A_393 : vector<128xf32> to vector<1x128xf32>
    %add3A_395 = arith.addf %add3A_359, %reshape3A_394 : vector<1x128xf32>
    %get3A_396 = arith.constant 0 : index
    %get3A_397 = arith.constant 11 : index
    %get3A_398 = arith.constant 0 : index
    %get3A_399 = vector.load %arg1[%get3A_396, %get3A_397, %get3A_398] : memref<41x16x1024xf32, #tpu.memory_space<vmem>>, vector<41x1x1024xf32>
    %get3A_400 = vector.shape_cast %get3A_399 : vector<41x1x1024xf32> to vector<41x1024xf32>
    %get3A_401 = arith.constant 0 : index
    %get3A_402 = arith.constant 0 : index
    %get3A_403 = vector.load %arg4[%get3A_401, %get3A_402] : memref<41x128xf32, #tpu.memory_space<vmem>>, vector<41x128xf32>
    %dot_general3A_404 = arith.constant dense<0.000000e+00> : vector<1024x128xf32>
    %dot_general3A_405 = tpu.matmul %get3A_400, %get3A_403, %dot_general3A_404 {dimension_numbers = #tpu.dot_dimension_numbers<[0], [0], [1], [1], [0, 1, 1, 1], [], []>, transpose_lhs_hint = false} : vector<41x1024xf32>, vector<41x128xf32>, vector<1024x128xf32> -> vector<1024x128xf32>
    %get3A_406 = arith.constant 11 : index
    %get3A_407 = arith.constant 0 : index
    %get3A_408 = arith.constant 0 : index
    %get3A_409 = vector.load %arg2[%get3A_406, %get3A_407, %get3A_408] : memref<16x1024x128xf32, #tpu.memory_space<vmem>>, vector<1x1024x128xf32>
    %get3A_410 = vector.shape_cast %get3A_409 : vector<1x1024x128xf32> to vector<1024x128xf32>
    %add3A_411 = arith.addf %get3A_410, %dot_general3A_405 : vector<1024x128xf32>
    %add3A_412 = arith.addf %add3A_411, %get3A_1 : vector<1024x128xf32>
    %convert_element_type3A_413 = arith.truncf %add3A_412 : vector<1024x128xf32> to vector<1024x128xbf16>
    %swap3A_414 = arith.constant 11 : index
    %swap3A_415 = arith.constant 0 : index
    %swap3A_416 = arith.constant 0 : index
    %swap3A_417 = vector.load %arg5[%swap3A_414, %swap3A_415, %swap3A_416] : memref<16x1024x128xbf16, #tpu.memory_space<vmem>>, vector<1x1024x128xbf16>
    %swap3A_418 = vector.shape_cast %swap3A_417 : vector<1x1024x128xbf16> to vector<1024x128xbf16>
    %swap3A_419 = vector.shape_cast %convert_element_type3A_413 : vector<1024x128xbf16> to vector<1x1024x128xbf16>
    tpu.vector_store %arg5[%swap3A_414, %swap3A_415, %swap3A_416], %swap3A_419 {strides = array<i32>} : memref<16x1024x128xbf16, #tpu.memory_space<vmem>>, vector<1x1024x128xbf16>,
    %jit3A_420 = arith.constant 0.000000e+00 : f32
    %broadcast_in_dim3A_421 = vector.broadcast %jit3A_420 : f32 to vector<1024x128xf32>
    %select_n3A_422 = arith.select %lt3A_4, %add3A_412, %broadcast_in_dim3A_421 : vector<1024x128xi1>, vector<1024x128xf32>
    %reduce_sum3A_423 = arith.constant dense<0.000000e+00> : vector<128xf32>
    %reduce_sum3A_424 = vector.multi_reduction <add>, %select_n3A_422, %reduce_sum3A_423 [0] : vector<1024x128xf32> to vector<128xf32>
    %reshape3A_425 = vector.shape_cast %reduce_sum3A_424 : vector<128xf32> to vector<1x128xf32>
    %add3A_426 = arith.addf %add3A_390, %reshape3A_425 : vector<1x128xf32>
    %mul3A_427 = arith.mulf %select_n3A_422, %select_n3A_422 : vector<1024x128xf32>
    %reduce_sum3A_428 = arith.constant dense<0.000000e+00> : vector<128xf32>
    %reduce_sum3A_429 = vector.multi_reduction <add>, %mul3A_427, %reduce_sum3A_428 [0] : vector<1024x128xf32> to vector<128xf32>
    %reshape3A_430 = vector.shape_cast %reduce_sum3A_429 : vector<128xf32> to vector<1x128xf32>
    %add3A_431 = arith.addf %add3A_395, %reshape3A_430 : vector<1x128xf32>
    %get3A_432 = arith.constant 0 : index
    %get3A_433 = arith.constant 12 : index
    %get3A_434 = arith.constant 0 : index
    %get3A_435 = vector.load %arg1[%get3A_432, %get3A_433, %get3A_434] : memref<41x16x1024xf32, #tpu.memory_space<vmem>>, vector<41x1x1024xf32>
    %get3A_436 = vector.shape_cast %get3A_435 : vector<41x1x1024xf32> to vector<41x1024xf32>
    %get3A_437 = arith.constant 0 : index
    %get3A_438 = arith.constant 0 : index
    %get3A_439 = vector.load %arg4[%get3A_437, %get3A_438] : memref<41x128xf32, #tpu.memory_space<vmem>>, vector<41x128xf32>
    %dot_general3A_440 = arith.constant dense<0.000000e+00> : vector<1024x128xf32>
    %dot_general3A_441 = tpu.matmul %get3A_436, %get3A_439, %dot_general3A_440 {dimension_numbers = #tpu.dot_dimension_numbers<[0], [0], [1], [1], [0, 1, 1, 1], [], []>, transpose_lhs_hint = false} : vector<41x1024xf32>, vector<41x128xf32>, vector<1024x128xf32> -> vector<1024x128xf32>
    %get3A_442 = arith.constant 12 : index
    %get3A_443 = arith.constant 0 : index
    %get3A_444 = arith.constant 0 : index
    %get3A_445 = vector.load %arg2[%get3A_442, %get3A_443, %get3A_444] : memref<16x1024x128xf32, #tpu.memory_space<vmem>>, vector<1x1024x128xf32>
    %get3A_446 = vector.shape_cast %get3A_445 : vector<1x1024x128xf32> to vector<1024x128xf32>
    %add3A_447 = arith.addf %get3A_446, %dot_general3A_441 : vector<1024x128xf32>
    %add3A_448 = arith.addf %add3A_447, %get3A_1 : vector<1024x128xf32>
    %convert_element_type3A_449 = arith.truncf %add3A_448 : vector<1024x128xf32> to vector<1024x128xbf16>
    %swap3A_450 = arith.constant 12 : index
    %swap3A_451 = arith.constant 0 : index
    %swap3A_452 = arith.constant 0 : index
    %swap3A_453 = vector.load %arg5[%swap3A_450, %swap3A_451, %swap3A_452] : memref<16x1024x128xbf16, #tpu.memory_space<vmem>>, vector<1x1024x128xbf16>
    %swap3A_454 = vector.shape_cast %swap3A_453 : vector<1x1024x128xbf16> to vector<1024x128xbf16>
    %swap3A_455 = vector.shape_cast %convert_element_type3A_449 : vector<1024x128xbf16> to vector<1x1024x128xbf16>
    tpu.vector_store %arg5[%swap3A_450, %swap3A_451, %swap3A_452], %swap3A_455 {strides = array<i32>} : memref<16x1024x128xbf16, #tpu.memory_space<vmem>>, vector<1x1024x128xbf16>,
    %jit3A_456 = arith.constant 0.000000e+00 : f32
    %broadcast_in_dim3A_457 = vector.broadcast %jit3A_456 : f32 to vector<1024x128xf32>
    %select_n3A_458 = arith.select %lt3A_4, %add3A_448, %broadcast_in_dim3A_457 : vector<1024x128xi1>, vector<1024x128xf32>
    %reduce_sum3A_459 = arith.constant dense<0.000000e+00> : vector<128xf32>
    %reduce_sum3A_460 = vector.multi_reduction <add>, %select_n3A_458, %reduce_sum3A_459 [0] : vector<1024x128xf32> to vector<128xf32>
    %reshape3A_461 = vector.shape_cast %reduce_sum3A_460 : vector<128xf32> to vector<1x128xf32>
    %add3A_462 = arith.addf %add3A_426, %reshape3A_461 : vector<1x128xf32>
    %mul3A_463 = arith.mulf %select_n3A_458, %select_n3A_458 : vector<1024x128xf32>
    %reduce_sum3A_464 = arith.constant dense<0.000000e+00> : vector<128xf32>
    %reduce_sum3A_465 = vector.multi_reduction <add>, %mul3A_463, %reduce_sum3A_464 [0] : vector<1024x128xf32> to vector<128xf32>
    %reshape3A_466 = vector.shape_cast %reduce_sum3A_465 : vector<128xf32> to vector<1x128xf32>
    %add3A_467 = arith.addf %add3A_431, %reshape3A_466 : vector<1x128xf32>
    %get3A_468 = arith.constant 0 : index
    %get3A_469 = arith.constant 13 : index
    %get3A_470 = arith.constant 0 : index
    %get3A_471 = vector.load %arg1[%get3A_468, %get3A_469, %get3A_470] : memref<41x16x1024xf32, #tpu.memory_space<vmem>>, vector<41x1x1024xf32>
    %get3A_472 = vector.shape_cast %get3A_471 : vector<41x1x1024xf32> to vector<41x1024xf32>
    %get3A_473 = arith.constant 0 : index
    %get3A_474 = arith.constant 0 : index
    %get3A_475 = vector.load %arg4[%get3A_473, %get3A_474] : memref<41x128xf32, #tpu.memory_space<vmem>>, vector<41x128xf32>
    %dot_general3A_476 = arith.constant dense<0.000000e+00> : vector<1024x128xf32>
    %dot_general3A_477 = tpu.matmul %get3A_472, %get3A_475, %dot_general3A_476 {dimension_numbers = #tpu.dot_dimension_numbers<[0], [0], [1], [1], [0, 1, 1, 1], [], []>, transpose_lhs_hint = false} : vector<41x1024xf32>, vector<41x128xf32>, vector<1024x128xf32> -> vector<1024x128xf32>
    %get3A_478 = arith.constant 13 : index
    %get3A_479 = arith.constant 0 : index
    %get3A_480 = arith.constant 0 : index
    %get3A_481 = vector.load %arg2[%get3A_478, %get3A_479, %get3A_480] : memref<16x1024x128xf32, #tpu.memory_space<vmem>>, vector<1x1024x128xf32>
    %get3A_482 = vector.shape_cast %get3A_481 : vector<1x1024x128xf32> to vector<1024x128xf32>
    %add3A_483 = arith.addf %get3A_482, %dot_general3A_477 : vector<1024x128xf32>
    %add3A_484 = arith.addf %add3A_483, %get3A_1 : vector<1024x128xf32>
    %convert_element_type3A_485 = arith.truncf %add3A_484 : vector<1024x128xf32> to vector<1024x128xbf16>
    %swap3A_486 = arith.constant 13 : index
    %swap3A_487 = arith.constant 0 : index
    %swap3A_488 = arith.constant 0 : index
    %swap3A_489 = vector.load %arg5[%swap3A_486, %swap3A_487, %swap3A_488] : memref<16x1024x128xbf16, #tpu.memory_space<vmem>>, vector<1x1024x128xbf16>
    %swap3A_490 = vector.shape_cast %swap3A_489 : vector<1x1024x128xbf16> to vector<1024x128xbf16>
    %swap3A_491 = vector.shape_cast %convert_element_type3A_485 : vector<1024x128xbf16> to vector<1x1024x128xbf16>
    tpu.vector_store %arg5[%swap3A_486, %swap3A_487, %swap3A_488], %swap3A_491 {strides = array<i32>} : memref<16x1024x128xbf16, #tpu.memory_space<vmem>>, vector<1x1024x128xbf16>,
    %jit3A_492 = arith.constant 0.000000e+00 : f32
    %broadcast_in_dim3A_493 = vector.broadcast %jit3A_492 : f32 to vector<1024x128xf32>
    %select_n3A_494 = arith.select %lt3A_4, %add3A_484, %broadcast_in_dim3A_493 : vector<1024x128xi1>, vector<1024x128xf32>
    %reduce_sum3A_495 = arith.constant dense<0.000000e+00> : vector<128xf32>
    %reduce_sum3A_496 = vector.multi_reduction <add>, %select_n3A_494, %reduce_sum3A_495 [0] : vector<1024x128xf32> to vector<128xf32>
    %reshape3A_497 = vector.shape_cast %reduce_sum3A_496 : vector<128xf32> to vector<1x128xf32>
    %add3A_498 = arith.addf %add3A_462, %reshape3A_497 : vector<1x128xf32>
    %mul3A_499 = arith.mulf %select_n3A_494, %select_n3A_494 : vector<1024x128xf32>
    %reduce_sum3A_500 = arith.constant dense<0.000000e+00> : vector<128xf32>
    %reduce_sum3A_501 = vector.multi_reduction <add>, %mul3A_499, %reduce_sum3A_500 [0] : vector<1024x128xf32> to vector<128xf32>
    %reshape3A_502 = vector.shape_cast %reduce_sum3A_501 : vector<128xf32> to vector<1x128xf32>
    %add3A_503 = arith.addf %add3A_467, %reshape3A_502 : vector<1x128xf32>
    %get3A_504 = arith.constant 0 : index
    %get3A_505 = arith.constant 14 : index
    %get3A_506 = arith.constant 0 : index
    %get3A_507 = vector.load %arg1[%get3A_504, %get3A_505, %get3A_506] : memref<41x16x1024xf32, #tpu.memory_space<vmem>>, vector<41x1x1024xf32>
    %get3A_508 = vector.shape_cast %get3A_507 : vector<41x1x1024xf32> to vector<41x1024xf32>
    %get3A_509 = arith.constant 0 : index
    %get3A_510 = arith.constant 0 : index
    %get3A_511 = vector.load %arg4[%get3A_509, %get3A_510] : memref<41x128xf32, #tpu.memory_space<vmem>>, vector<41x128xf32>
    %dot_general3A_512 = arith.constant dense<0.000000e+00> : vector<1024x128xf32>
    %dot_general3A_513 = tpu.matmul %get3A_508, %get3A_511, %dot_general3A_512 {dimension_numbers = #tpu.dot_dimension_numbers<[0], [0], [1], [1], [0, 1, 1, 1], [], []>, transpose_lhs_hint = false} : vector<41x1024xf32>, vector<41x128xf32>, vector<1024x128xf32> -> vector<1024x128xf32>
    %get3A_514 = arith.constant 14 : index
    %get3A_515 = arith.constant 0 : index
    %get3A_516 = arith.constant 0 : index
    %get3A_517 = vector.load %arg2[%get3A_514, %get3A_515, %get3A_516] : memref<16x1024x128xf32, #tpu.memory_space<vmem>>, vector<1x1024x128xf32>
    %get3A_518 = vector.shape_cast %get3A_517 : vector<1x1024x128xf32> to vector<1024x128xf32>
    %add3A_519 = arith.addf %get3A_518, %dot_general3A_513 : vector<1024x128xf32>
    %add3A_520 = arith.addf %add3A_519, %get3A_1 : vector<1024x128xf32>
    %convert_element_type3A_521 = arith.truncf %add3A_520 : vector<1024x128xf32> to vector<1024x128xbf16>
    %swap3A_522 = arith.constant 14 : index
    %swap3A_523 = arith.constant 0 : index
    %swap3A_524 = arith.constant 0 : index
    %swap3A_525 = vector.load %arg5[%swap3A_522, %swap3A_523, %swap3A_524] : memref<16x1024x128xbf16, #tpu.memory_space<vmem>>, vector<1x1024x128xbf16>
    %swap3A_526 = vector.shape_cast %swap3A_525 : vector<1x1024x128xbf16> to vector<1024x128xbf16>
    %swap3A_527 = vector.shape_cast %convert_element_type3A_521 : vector<1024x128xbf16> to vector<1x1024x128xbf16>
    tpu.vector_store %arg5[%swap3A_522, %swap3A_523, %swap3A_524], %swap3A_527 {strides = array<i32>} : memref<16x1024x128xbf16, #tpu.memory_space<vmem>>, vector<1x1024x128xbf16>,
    %jit3A_528 = arith.constant 0.000000e+00 : f32
    %broadcast_in_dim3A_529 = vector.broadcast %jit3A_528 : f32 to vector<1024x128xf32>
    %select_n3A_530 = arith.select %lt3A_4, %add3A_520, %broadcast_in_dim3A_529 : vector<1024x128xi1>, vector<1024x128xf32>
    %reduce_sum3A_531 = arith.constant dense<0.000000e+00> : vector<128xf32>
    %reduce_sum3A_532 = vector.multi_reduction <add>, %select_n3A_530, %reduce_sum3A_531 [0] : vector<1024x128xf32> to vector<128xf32>
    %reshape3A_533 = vector.shape_cast %reduce_sum3A_532 : vector<128xf32> to vector<1x128xf32>
    %add3A_534 = arith.addf %add3A_498, %reshape3A_533 : vector<1x128xf32>
    %mul3A_535 = arith.mulf %select_n3A_530, %select_n3A_530 : vector<1024x128xf32>
    %reduce_sum3A_536 = arith.constant dense<0.000000e+00> : vector<128xf32>
    %reduce_sum3A_537 = vector.multi_reduction <add>, %mul3A_535, %reduce_sum3A_536 [0] : vector<1024x128xf32> to vector<128xf32>
    %reshape3A_538 = vector.shape_cast %reduce_sum3A_537 : vector<128xf32> to vector<1x128xf32>
    %add3A_539 = arith.addf %add3A_503, %reshape3A_538 : vector<1x128xf32>
    %get3A_540 = arith.constant 0 : index
    %get3A_541 = arith.constant 15 : index
    %get3A_542 = arith.constant 0 : index
    %get3A_543 = vector.load %arg1[%get3A_540, %get3A_541, %get3A_542] : memref<41x16x1024xf32, #tpu.memory_space<vmem>>, vector<41x1x1024xf32>
    %get3A_544 = vector.shape_cast %get3A_543 : vector<41x1x1024xf32> to vector<41x1024xf32>
    %get3A_545 = arith.constant 0 : index
    %get3A_546 = arith.constant 0 : index
    %get3A_547 = vector.load %arg4[%get3A_545, %get3A_546] : memref<41x128xf32, #tpu.memory_space<vmem>>, vector<41x128xf32>
    %dot_general3A_548 = arith.constant dense<0.000000e+00> : vector<1024x128xf32>
    %dot_general3A_549 = tpu.matmul %get3A_544, %get3A_547, %dot_general3A_548 {dimension_numbers = #tpu.dot_dimension_numbers<[0], [0], [1], [1], [0, 1, 1, 1], [], []>, transpose_lhs_hint = false} : vector<41x1024xf32>, vector<41x128xf32>, vector<1024x128xf32> -> vector<1024x128xf32>
    %get3A_550 = arith.constant 15 : index
    %get3A_551 = arith.constant 0 : index
    %get3A_552 = arith.constant 0 : index
    %get3A_553 = vector.load %arg2[%get3A_550, %get3A_551, %get3A_552] : memref<16x1024x128xf32, #tpu.memory_space<vmem>>, vector<1x1024x128xf32>
    %get3A_554 = vector.shape_cast %get3A_553 : vector<1x1024x128xf32> to vector<1024x128xf32>
    %add3A_555 = arith.addf %get3A_554, %dot_general3A_549 : vector<1024x128xf32>
    %add3A_556 = arith.addf %add3A_555, %get3A_1 : vector<1024x128xf32>
    %convert_element_type3A_557 = arith.truncf %add3A_556 : vector<1024x128xf32> to vector<1024x128xbf16>
    %swap3A_558 = arith.constant 15 : index
    %swap3A_559 = arith.constant 0 : index
    %swap3A_560 = arith.constant 0 : index
    %swap3A_561 = vector.load %arg5[%swap3A_558, %swap3A_559, %swap3A_560] : memref<16x1024x128xbf16, #tpu.memory_space<vmem>>, vector<1x1024x128xbf16>
    %swap3A_562 = vector.shape_cast %swap3A_561 : vector<1x1024x128xbf16> to vector<1024x128xbf16>
    %swap3A_563 = vector.shape_cast %convert_element_type3A_557 : vector<1024x128xbf16> to vector<1x1024x128xbf16>
    tpu.vector_store %arg5[%swap3A_558, %swap3A_559, %swap3A_560], %swap3A_563 {strides = array<i32>} : memref<16x1024x128xbf16, #tpu.memory_space<vmem>>, vector<1x1024x128xbf16>,
    %jit3A_564 = arith.constant 0.000000e+00 : f32
    %broadcast_in_dim3A_565 = vector.broadcast %jit3A_564 : f32 to vector<1024x128xf32>
    %select_n3A_566 = arith.select %lt3A_4, %add3A_556, %broadcast_in_dim3A_565 : vector<1024x128xi1>, vector<1024x128xf32>
    %reduce_sum3A_567 = arith.constant dense<0.000000e+00> : vector<128xf32>
    %reduce_sum3A_568 = vector.multi_reduction <add>, %select_n3A_566, %reduce_sum3A_567 [0] : vector<1024x128xf32> to vector<128xf32>
    %reshape3A_569 = vector.shape_cast %reduce_sum3A_568 : vector<128xf32> to vector<1x128xf32>
    %add3A_570 = arith.addf %add3A_534, %reshape3A_569 : vector<1x128xf32>
    %mul3A_571 = arith.mulf %select_n3A_566, %select_n3A_566 : vector<1024x128xf32>
    %reduce_sum3A_572 = arith.constant dense<0.000000e+00> : vector<128xf32>
    %reduce_sum3A_573 = vector.multi_reduction <add>, %mul3A_571, %reduce_sum3A_572 [0] : vector<1024x128xf32> to vector<128xf32>
    %reshape3A_574 = vector.shape_cast %reduce_sum3A_573 : vector<128xf32> to vector<1x128xf32>
    %add3A_575 = arith.addf %add3A_539, %reshape3A_574 : vector<1x128xf32>
    %eq3A = arith.constant 0 : i32
    %eq3A_576 = arith.cmpi eq, %arg0, %eq3A : i32
    %convert_element_type3A_577 = arith.extui %eq3A_576 : i1 to i32
    %cond3A = arith.constant 0 : i32
    %cond3A_578 = arith.cmpi ne, %convert_element_type3A_577, %cond3A : i32
    scf.if %cond3A_578 {
      %broadcast_in_dim3A_593 = arith.constant 0.000000e+00 : f32
      %broadcast_in_dim3A_594 = vector.broadcast %broadcast_in_dim3A_593 : f32 to vector<1x128xf32>
      %swap3A_595 = arith.constant 0 : index
      %swap3A_596 = arith.constant 0 : index
      %swap3A_597 = vector.load %arg6[%swap3A_595, %swap3A_596] : memref<1x128xf32, #tpu.memory_space<vmem>>, vector<1x128xf32>
      tpu.vector_store %arg6[%swap3A_595, %swap3A_596], %broadcast_in_dim3A_594 {strides = array<i32>} : memref<1x128xf32, #tpu.memory_space<vmem>>, vector<1x128xf32>,
      %broadcast_in_dim3A_598 = arith.constant 0.000000e+00 : f32
      %broadcast_in_dim3A_599 = vector.broadcast %broadcast_in_dim3A_598 : f32 to vector<1x128xf32>
      %swap3A_600 = arith.constant 0 : index
      %swap3A_601 = arith.constant 0 : index
      %swap3A_602 = vector.load %arg7[%swap3A_600, %swap3A_601] : memref<1x128xf32, #tpu.memory_space<vmem>>, vector<1x128xf32>
      tpu.vector_store %arg7[%swap3A_600, %swap3A_601], %broadcast_in_dim3A_599 {strides = array<i32>} : memref<1x128xf32, #tpu.memory_space<vmem>>, vector<1x128xf32>,
    } else {
    }
    %get3A_579 = arith.constant 0 : index
    %get3A_580 = arith.constant 0 : index
    %get3A_581 = vector.load %arg6[%get3A_579, %get3A_580] : memref<1x128xf32, #tpu.memory_space<vmem>>, vector<1x128xf32>
    %add3A_582 = arith.addf %get3A_581, %add3A_570 : vector<1x128xf32>
    %swap3A_583 = arith.constant 0 : index
    %swap3A_584 = arith.constant 0 : index
    %swap3A_585 = vector.load %arg6[%swap3A_583, %swap3A_584] : memref<1x128xf32, #tpu.memory_space<vmem>>, vector<1x128xf32>
    tpu.vector_store %arg6[%swap3A_583, %swap3A_584], %add3A_582 {strides = array<i32>} : memref<1x128xf32, #tpu.memory_space<vmem>>, vector<1x128xf32>,
    %get3A_586 = arith.constant 0 : index
    %get3A_587 = arith.constant 0 : index
    %get3A_588 = vector.load %arg7[%get3A_586, %get3A_587] : memref<1x128xf32, #tpu.memory_space<vmem>>, vector<1x128xf32>
    %add3A_589 = arith.addf %get3A_588, %add3A_575 : vector<1x128xf32>
    %swap3A_590 = arith.constant 0 : index
    %swap3A_591 = arith.constant 0 : index
    %swap3A_592 = vector.load %arg7[%swap3A_590, %swap3A_591] : memref<1x128xf32, #tpu.memory_space<vmem>>, vector<1x128xf32>
    tpu.vector_store %arg7[%swap3A_590, %swap3A_591], %add3A_589 {strides = array<i32>} : memref<1x128xf32, #tpu.memory_space<vmem>>, vector<1x128xf32>,
    return
  }
  func.func @transform_0(%arg0: i32) -> (i32, i32, i32) {
    %c0_i32 = arith.constant 0 : i32
    %c0_i32_0 = arith.constant 0 : i32
    %c0_i32_1 = arith.constant 0 : i32
    return %c0_i32, %c0_i32_0, %arg0 : i32, i32, i32
  }
  func.func @transform_1(%arg0: i32) -> (i32, i32, i32) {
    %c0_i32 = arith.constant 0 : i32
    %c0_i32_0 = arith.constant 0 : i32
    %c0_i32_1 = arith.constant 0 : i32
    return %c0_i32, %arg0, %c0_i32_0 : i32, i32, i32
  }
  func.func @transform_2(%arg0: i32) -> (i32, i32) {
    %c0_i32 = arith.constant 0 : i32
    %c0_i32_0 = arith.constant 0 : i32
    return %arg0, %c0_i32 : i32, i32
  }
  func.func @transform_3(%arg0: i32) -> (i32, i32) {
    %c0_i32 = arith.constant 0 : i32
    %c0_i32_0 = arith.constant 0 : i32
    %c0_i32_1 = arith.constant 0 : i32
    return %c0_i32, %c0_i32_0 : i32, i32
  }
  func.func @transform_4(%arg0: i32) -> (i32, i32, i32) {
    %c0_i32 = arith.constant 0 : i32
    %c0_i32_0 = arith.constant 0 : i32
    %c0_i32_1 = arith.constant 0 : i32
    return %c0_i32, %arg0, %c0_i32_0 : i32, i32, i32
  }
  func.func @transform_5(%arg0: i32) -> (i32, i32) {
    %c0_i32 = arith.constant 0 : i32
    %c0_i32_0 = arith.constant 0 : i32
    %c0_i32_1 = arith.constant 0 : i32
    return %c0_i32, %c0_i32_0 : i32, i32
  }
  func.func @transform_6(%arg0: i32) -> (i32, i32) {
    %c0_i32 = arith.constant 0 : i32
    %c0_i32_0 = arith.constant 0 : i32
    %c0_i32_1 = arith.constant 0 : i32
    return %c0_i32, %c0_i32_0 : i32, i32
  }
}

module attributes {stable_mosaic.version = 14 : i64} {
  func.func @_p2_body(%arg0: i32, %arg1: memref<16x2048x128xbf16, #tpu.memory_space<vmem>>, %arg2: memref<1x128xf32, #tpu.memory_space<vmem>>, %arg3: memref<1x128xf32, #tpu.memory_space<vmem>>, %arg4: memref<1x128xf32, #tpu.memory_space<vmem>>, %arg5: memref<1x128xf32, #tpu.memory_space<vmem>>, %arg6: memref<2048x64xf32, #tpu.memory_space<vmem>>, %arg7: memref<1x64xf32, #tpu.memory_space<vmem>>, %arg8: memref<1x64xf32, #tpu.memory_space<vmem>>) attributes {dimension_semantics = [#tpu.dimension_semantics<arbitrary>], iteration_bounds = array<i64: 25>, scalar_prefetch = 0 : i64, scratch_operands = 0 : i64, tpu.core_type = #tpu.core_type<tc>, window_params = [{transform_indices = @transform_0, window_bounds = array<i64: 16, 2048, 128>}, {pipeline_mode = #tpu.pipeline_mode<synchronous>, transform_indices = @transform_1, window_bounds = array<i64: 1, 128>}, {pipeline_mode = #tpu.pipeline_mode<synchronous>, transform_indices = @transform_2, window_bounds = array<i64: 1, 128>}, {pipeline_mode = #tpu.pipeline_mode<synchronous>, transform_indices = @transform_3, window_bounds = array<i64: 1, 128>}, {pipeline_mode = #tpu.pipeline_mode<synchronous>, transform_indices = @transform_4, window_bounds = array<i64: 1, 128>}, {transform_indices = @transform_5, window_bounds = array<i64: 2048, 64>}, {pipeline_mode = #tpu.pipeline_mode<synchronous>, transform_indices = @transform_6, window_bounds = array<i64: 1, 64>}, {pipeline_mode = #tpu.pipeline_mode<synchronous>, transform_indices = @transform_7, window_bounds = array<i64: 1, 64>}]} {
    %get3A = arith.constant 0 : index
    %get3A_0 = arith.constant 0 : index
    %get3A_1 = vector.load %arg2[%get3A, %get3A_0] : memref<1x128xf32, #tpu.memory_space<vmem>>, vector<1x128xf32>
    %mul3A = arith.constant 1.250000e-06 : f32
    %mul3A_2 = vector.broadcast %mul3A : f32 to vector<1x128xf32>
    %mul3A_3 = arith.mulf %get3A_1, %mul3A_2 : vector<1x128xf32>
    %get3A_4 = arith.constant 0 : index
    %get3A_5 = arith.constant 0 : index
    %get3A_6 = vector.load %arg3[%get3A_4, %get3A_5] : memref<1x128xf32, #tpu.memory_space<vmem>>, vector<1x128xf32>
    %mul3A_7 = arith.constant 1.250000e-06 : f32
    %mul3A_8 = vector.broadcast %mul3A_7 : f32 to vector<1x128xf32>
    %mul3A_9 = arith.mulf %get3A_6, %mul3A_8 : vector<1x128xf32>
    %mul3A_10 = arith.mulf %mul3A_3, %mul3A_3 : vector<1x128xf32>
    %sub3A = arith.subf %mul3A_9, %mul3A_10 : vector<1x128xf32>
    %get3A_11 = arith.constant 0 : index
    %get3A_12 = arith.constant 0 : index
    %get3A_13 = vector.load %arg4[%get3A_11, %get3A_12] : memref<1x128xf32, #tpu.memory_space<vmem>>, vector<1x128xf32>
    %add3A = arith.constant 9.99999974E-6 : f32
    %add3A_14 = vector.broadcast %add3A : f32 to vector<1x128xf32>
    %add3A_15 = arith.addf %sub3A, %add3A_14 : vector<1x128xf32>
    %rsqrt3A = math.rsqrt %add3A_15 : vector<1x128xf32>
    %mul3A_16 = arith.mulf %get3A_13, %rsqrt3A : vector<1x128xf32>
    %get3A_17 = arith.constant 0 : index
    %get3A_18 = arith.constant 0 : index
    %get3A_19 = vector.load %arg5[%get3A_17, %get3A_18] : memref<1x128xf32, #tpu.memory_space<vmem>>, vector<1x128xf32>
    %mul3A_20 = arith.mulf %mul3A_3, %mul3A_16 : vector<1x128xf32>
    %sub3A_21 = arith.subf %get3A_19, %mul3A_20 : vector<1x128xf32>
    %slice3A = vector.extract_strided_slice %mul3A_16 {offsets = [0, 0], sizes = [1, 64], strides = [1, 1]} : vector<1x128xf32> to vector<1x64xf32>
    %mul3A_22 = arith.constant 1.44269502 : f32
    %mul3A_23 = vector.broadcast %mul3A_22 : f32 to vector<1x64xf32>
    %mul3A_24 = arith.mulf %slice3A, %mul3A_23 : vector<1x64xf32>
    %neg3A = arith.constant 0.000000e+00 : f32
    %neg3A_25 = vector.broadcast %neg3A : f32 to vector<1x64xf32>
    %neg3A_26 = arith.subf %neg3A_25, %mul3A_24 : vector<1x64xf32>
    %slice3A_27 = vector.extract_strided_slice %sub3A_21 {offsets = [0, 0], sizes = [1, 64], strides = [1, 1]} : vector<1x128xf32> to vector<1x64xf32>
    %mul3A_28 = arith.constant 1.44269502 : f32
    %mul3A_29 = vector.broadcast %mul3A_28 : f32 to vector<1x64xf32>
    %mul3A_30 = arith.mulf %slice3A_27, %mul3A_29 : vector<1x64xf32>
    %neg3A_31 = arith.constant 0.000000e+00 : f32
    %neg3A_32 = vector.broadcast %neg3A_31 : f32 to vector<1x64xf32>
    %neg3A_33 = arith.subf %neg3A_32, %mul3A_30 : vector<1x64xf32>
    %slice3A_34 = vector.extract_strided_slice %mul3A_16 {offsets = [0, 64], sizes = [1, 64], strides = [1, 1]} : vector<1x128xf32> to vector<1x64xf32>
    %mul3A_35 = arith.constant 1.44269502 : f32
    %mul3A_36 = vector.broadcast %mul3A_35 : f32 to vector<1x64xf32>
    %mul3A_37 = arith.mulf %slice3A_34, %mul3A_36 : vector<1x64xf32>
    %slice3A_38 = vector.extract_strided_slice %sub3A_21 {offsets = [0, 64], sizes = [1, 64], strides = [1, 1]} : vector<1x128xf32> to vector<1x64xf32>
    %mul3A_39 = arith.constant 1.44269502 : f32
    %mul3A_40 = vector.broadcast %mul3A_39 : f32 to vector<1x64xf32>
    %mul3A_41 = arith.mulf %slice3A_38, %mul3A_40 : vector<1x64xf32>
    %get3A_42 = arith.constant 0 : index
    %get3A_43 = arith.constant 0 : index
    %get3A_44 = arith.constant 0 : index
    %get3A_45 = vector.load %arg1[%get3A_42, %get3A_43, %get3A_44] : memref<16x2048x128xbf16, #tpu.memory_space<vmem>>, vector<16x2048x64xbf16>
    %convert_element_type3A = arith.extf %get3A_45 : vector<16x2048x64xbf16> to vector<16x2048x64xf32>
    %get3A_46 = arith.constant 0 : index
    %get3A_47 = arith.constant 0 : index
    %get3A_48 = arith.constant 64 : index
    %get3A_49 = vector.load %arg1[%get3A_46, %get3A_47, %get3A_48] : memref<16x2048x128xbf16, #tpu.memory_space<vmem>>, vector<16x2048x64xbf16>
    %convert_element_type3A_50 = arith.extf %get3A_49 : vector<16x2048x64xbf16> to vector<16x2048x64xf32>
    %broadcast_in_dim3A = vector.shape_cast %neg3A_26 : vector<1x64xf32> to vector<1x1x64xf32>
    %mul3A_51 = vector.broadcast %broadcast_in_dim3A : vector<1x1x64xf32> to vector<16x2048x64xf32>
    %mul3A_52 = arith.mulf %mul3A_51, %convert_element_type3A : vector<16x2048x64xf32>
    %broadcast_in_dim3A_53 = vector.shape_cast %neg3A_33 : vector<1x64xf32> to vector<1x1x64xf32>
    %add3A_54 = vector.broadcast %broadcast_in_dim3A_53 : vector<1x1x64xf32> to vector<16x2048x64xf32>
    %add3A_55 = arith.addf %mul3A_52, %add3A_54 : vector<16x2048x64xf32>
    %exp23A = math.exp2 %add3A_55 : vector<16x2048x64xf32>
    %add3A_56 = arith.constant 1.000000e+00 : f32
    %add3A_57 = vector.broadcast %add3A_56 : f32 to vector<16x2048x64xf32>
    %add3A_58 = arith.addf %add3A_57, %exp23A : vector<16x2048x64xf32>
    %div3A = arith.constant 1.000000e+00 : f32
    %div3A_59 = vector.broadcast %div3A : f32 to vector<16x2048x64xf32>
    %div3A_60 = arith.divf %div3A_59, %add3A_58 : vector<16x2048x64xf32>
    %broadcast_in_dim3A_61 = vector.shape_cast %mul3A_37 : vector<1x64xf32> to vector<1x1x64xf32>
    %mul3A_62 = vector.broadcast %broadcast_in_dim3A_61 : vector<1x1x64xf32> to vector<16x2048x64xf32>
    %mul3A_63 = arith.mulf %mul3A_62, %convert_element_type3A_50 : vector<16x2048x64xf32>
    %broadcast_in_dim3A_64 = vector.shape_cast %mul3A_41 : vector<1x64xf32> to vector<1x1x64xf32>
    %add3A_65 = vector.broadcast %broadcast_in_dim3A_64 : vector<1x1x64xf32> to vector<16x2048x64xf32>
    %add3A_66 = arith.addf %mul3A_63, %add3A_65 : vector<16x2048x64xf32>
    %exp23A_67 = math.exp2 %add3A_66 : vector<16x2048x64xf32>
    %add3A_68 = arith.constant 1.000000e+00 : f32
    %add3A_69 = vector.broadcast %add3A_68 : f32 to vector<16x2048x64xf32>
    %add3A_70 = arith.addf %add3A_69, %exp23A_67 : vector<16x2048x64xf32>
    %log3A = math.log %add3A_70 : vector<16x2048x64xf32>
    %log3A_71 = arith.constant 2.000000e+00 : f32
    %log3A_72 = math.log %log3A_71 : f32
    %div3A_73 = vector.broadcast %log3A_72 : f32 to vector<16x2048x64xf32>
    %div3A_74 = arith.divf %log3A, %div3A_73 : vector<16x2048x64xf32>
    %mul3A_75 = arith.mulf %div3A_60, %div3A_74 : vector<16x2048x64xf32>
    %reduce_sum3A = arith.constant dense<0.000000e+00> : vector<2048x64xf32>
    %reduce_sum3A_76 = vector.multi_reduction <add>, %mul3A_75, %reduce_sum3A [0] : vector<16x2048x64xf32> to vector<2048x64xf32>
    %mul3A_77 = arith.constant 0.693147182 : f32
    %mul3A_78 = vector.broadcast %mul3A_77 : f32 to vector<2048x64xf32>
    %mul3A_79 = arith.mulf %mul3A_78, %reduce_sum3A_76 : vector<2048x64xf32>
    %swap3A = arith.constant 0 : index
    %swap3A_80 = arith.constant 0 : index
    %swap3A_81 = vector.load %arg6[%swap3A, %swap3A_80] : memref<2048x64xf32, #tpu.memory_space<vmem>>, vector<2048x64xf32>
    tpu.vector_store %arg6[%swap3A, %swap3A_80], %mul3A_79 {strides = array<i32>} : memref<2048x64xf32, #tpu.memory_space<vmem>>, vector<2048x64xf32>,
    %eq3A = arith.constant 0 : i32
    %eq3A_82 = arith.cmpi eq, %arg0, %eq3A : i32
    %convert_element_type3A_83 = arith.extui %eq3A_82 : i1 to i32
    %cond3A = arith.constant 0 : i32
    %cond3A_84 = arith.cmpi ne, %convert_element_type3A_83, %cond3A : i32
    scf.if %cond3A_84 {
      %broadcast_in_dim3A_111 = arith.constant 0.000000e+00 : f32
      %broadcast_in_dim3A_112 = vector.broadcast %broadcast_in_dim3A_111 : f32 to vector<1x64xf32>
      %swap3A_113 = arith.constant 0 : index
      %swap3A_114 = arith.constant 0 : index
      %swap3A_115 = vector.load %arg7[%swap3A_113, %swap3A_114] : memref<1x64xf32, #tpu.memory_space<vmem>>, vector<1x64xf32>
      tpu.vector_store %arg7[%swap3A_113, %swap3A_114], %broadcast_in_dim3A_112 {strides = array<i32>} : memref<1x64xf32, #tpu.memory_space<vmem>>, vector<1x64xf32>,
      %broadcast_in_dim3A_116 = arith.constant 0.000000e+00 : f32
      %broadcast_in_dim3A_117 = vector.broadcast %broadcast_in_dim3A_116 : f32 to vector<1x64xf32>
      %swap3A_118 = arith.constant 0 : index
      %swap3A_119 = arith.constant 0 : index
      %swap3A_120 = vector.load %arg8[%swap3A_118, %swap3A_119] : memref<1x64xf32, #tpu.memory_space<vmem>>, vector<1x64xf32>
      tpu.vector_store %arg8[%swap3A_118, %swap3A_119], %broadcast_in_dim3A_117 {strides = array<i32>} : memref<1x64xf32, #tpu.memory_space<vmem>>, vector<1x64xf32>,
    } else {
    }
    %mul3A_85 = arith.constant 2048 : i32
    %mul3A_86 = arith.muli %arg0, %mul3A_85 : i32
    %sub3A_87 = arith.constant 50000 : i32
    %sub3A_88 = arith.subi %sub3A_87, %mul3A_86 : i32
    %iota3A = tpu.iota {dimensions = array<i32: 0>} : vector<2048x64xi32>
    %lt3A = vector.broadcast %sub3A_88 : i32 to vector<2048x64xi32>
    %lt3A_89 = arith.cmpi slt, %iota3A, %lt3A : vector<2048x64xi32>
    %jit3A = arith.constant 0.000000e+00 : f32
    %broadcast_in_dim3A_90 = vector.broadcast %jit3A : f32 to vector<2048x64xf32>
    %select_n3A = arith.select %lt3A_89, %mul3A_79, %broadcast_in_dim3A_90 : vector<2048x64xi1>, vector<2048x64xf32>
    %get3A_91 = arith.constant 0 : index
    %get3A_92 = arith.constant 0 : index
    %get3A_93 = vector.load %arg7[%get3A_91, %get3A_92] : memref<1x64xf32, #tpu.memory_space<vmem>>, vector<1x64xf32>
    %reduce_sum3A_94 = arith.constant dense<0.000000e+00> : vector<64xf32>
    %reduce_sum3A_95 = vector.multi_reduction <add>, %select_n3A, %reduce_sum3A_94 [0] : vector<2048x64xf32> to vector<64xf32>
    %reshape3A = vector.shape_cast %reduce_sum3A_95 : vector<64xf32> to vector<1x64xf32>
    %add3A_96 = arith.addf %get3A_93, %reshape3A : vector<1x64xf32>
    %swap3A_97 = arith.constant 0 : index
    %swap3A_98 = arith.constant 0 : index
    %swap3A_99 = vector.load %arg7[%swap3A_97, %swap3A_98] : memref<1x64xf32, #tpu.memory_space<vmem>>, vector<1x64xf32>
    tpu.vector_store %arg7[%swap3A_97, %swap3A_98], %add3A_96 {strides = array<i32>} : memref<1x64xf32, #tpu.memory_space<vmem>>, vector<1x64xf32>,
    %get3A_100 = arith.constant 0 : index
    %get3A_101 = arith.constant 0 : index
    %get3A_102 = vector.load %arg8[%get3A_100, %get3A_101] : memref<1x64xf32, #tpu.memory_space<vmem>>, vector<1x64xf32>
    %mul3A_103 = arith.mulf %select_n3A, %select_n3A : vector<2048x64xf32>
    %reduce_sum3A_104 = arith.constant dense<0.000000e+00> : vector<64xf32>
    %reduce_sum3A_105 = vector.multi_reduction <add>, %mul3A_103, %reduce_sum3A_104 [0] : vector<2048x64xf32> to vector<64xf32>
    %reshape3A_106 = vector.shape_cast %reduce_sum3A_105 : vector<64xf32> to vector<1x64xf32>
    %add3A_107 = arith.addf %get3A_102, %reshape3A_106 : vector<1x64xf32>
    %swap3A_108 = arith.constant 0 : index
    %swap3A_109 = arith.constant 0 : index
    %swap3A_110 = vector.load %arg8[%swap3A_108, %swap3A_109] : memref<1x64xf32, #tpu.memory_space<vmem>>, vector<1x64xf32>
    tpu.vector_store %arg8[%swap3A_108, %swap3A_109], %add3A_107 {strides = array<i32>} : memref<1x64xf32, #tpu.memory_space<vmem>>, vector<1x64xf32>,
    return
  }
  func.func @transform_0(%arg0: i32) -> (i32, i32, i32) {
    %c0_i32 = arith.constant 0 : i32
    %c0_i32_0 = arith.constant 0 : i32
    %c0_i32_1 = arith.constant 0 : i32
    return %c0_i32, %arg0, %c0_i32_0 : i32, i32, i32
  }
  func.func @transform_1(%arg0: i32) -> (i32, i32) {
    %c0_i32 = arith.constant 0 : i32
    %c0_i32_0 = arith.constant 0 : i32
    %c0_i32_1 = arith.constant 0 : i32
    return %c0_i32, %c0_i32_0 : i32, i32
  }
  func.func @transform_2(%arg0: i32) -> (i32, i32) {
    %c0_i32 = arith.constant 0 : i32
    %c0_i32_0 = arith.constant 0 : i32
    %c0_i32_1 = arith.constant 0 : i32
    return %c0_i32, %c0_i32_0 : i32, i32
  }
  func.func @transform_3(%arg0: i32) -> (i32, i32) {
    %c0_i32 = arith.constant 0 : i32
    %c0_i32_0 = arith.constant 0 : i32
    %c0_i32_1 = arith.constant 0 : i32
    return %c0_i32, %c0_i32_0 : i32, i32
  }
  func.func @transform_4(%arg0: i32) -> (i32, i32) {
    %c0_i32 = arith.constant 0 : i32
    %c0_i32_0 = arith.constant 0 : i32
    %c0_i32_1 = arith.constant 0 : i32
    return %c0_i32, %c0_i32_0 : i32, i32
  }
  func.func @transform_5(%arg0: i32) -> (i32, i32) {
    %c0_i32 = arith.constant 0 : i32
    %c0_i32_0 = arith.constant 0 : i32
    return %arg0, %c0_i32 : i32, i32
  }
  func.func @transform_6(%arg0: i32) -> (i32, i32) {
    %c0_i32 = arith.constant 0 : i32
    %c0_i32_0 = arith.constant 0 : i32
    %c0_i32_1 = arith.constant 0 : i32
    return %c0_i32, %c0_i32_0 : i32, i32
  }
  func.func @transform_7(%arg0: i32) -> (i32, i32) {
    %c0_i32 = arith.constant 0 : i32
    %c0_i32_0 = arith.constant 0 : i32
    %c0_i32_1 = arith.constant 0 : i32
    return %c0_i32, %c0_i32_0 : i32, i32
  }
}

module attributes {stable_mosaic.version = 14 : i64} {
  func.func @_p3_body(%arg0: i32, %arg1: memref<2000x64xf32, #tpu.memory_space<vmem>>, %arg2: memref<2000x64xf32, #tpu.memory_space<vmem>>, %arg3: memref<1x64xf32, #tpu.memory_space<vmem>>, %arg4: memref<1x64xf32, #tpu.memory_space<vmem>>, %arg5: memref<1x64xf32, #tpu.memory_space<vmem>>, %arg6: memref<1x64xf32, #tpu.memory_space<vmem>>, %arg7: memref<2000x64xf32, #tpu.memory_space<vmem>>) attributes {dimension_semantics = [#tpu.dimension_semantics<arbitrary>], iteration_bounds = array<i64: 25>, scalar_prefetch = 0 : i64, scratch_operands = 0 : i64, tpu.core_type = #tpu.core_type<tc>, window_params = [{transform_indices = @transform_0, window_bounds = array<i64: 2000, 64>}, {transform_indices = @transform_1, window_bounds = array<i64: 2000, 64>}, {pipeline_mode = #tpu.pipeline_mode<synchronous>, transform_indices = @transform_2, window_bounds = array<i64: 1, 64>}, {pipeline_mode = #tpu.pipeline_mode<synchronous>, transform_indices = @transform_3, window_bounds = array<i64: 1, 64>}, {pipeline_mode = #tpu.pipeline_mode<synchronous>, transform_indices = @transform_4, window_bounds = array<i64: 1, 64>}, {pipeline_mode = #tpu.pipeline_mode<synchronous>, transform_indices = @transform_5, window_bounds = array<i64: 1, 64>}, {transform_indices = @transform_6, window_bounds = array<i64: 2000, 64>}]} {
    %get3A = arith.constant 0 : index
    %get3A_0 = arith.constant 0 : index
    %get3A_1 = vector.load %arg3[%get3A, %get3A_0] : memref<1x64xf32, #tpu.memory_space<vmem>>, vector<1x64xf32>
    %mul3A = arith.constant 2.000000e-05 : f32
    %mul3A_2 = vector.broadcast %mul3A : f32 to vector<1x64xf32>
    %mul3A_3 = arith.mulf %get3A_1, %mul3A_2 : vector<1x64xf32>
    %get3A_4 = arith.constant 0 : index
    %get3A_5 = arith.constant 0 : index
    %get3A_6 = vector.load %arg4[%get3A_4, %get3A_5] : memref<1x64xf32, #tpu.memory_space<vmem>>, vector<1x64xf32>
    %mul3A_7 = arith.constant 2.000000e-05 : f32
    %mul3A_8 = vector.broadcast %mul3A_7 : f32 to vector<1x64xf32>
    %mul3A_9 = arith.mulf %get3A_6, %mul3A_8 : vector<1x64xf32>
    %mul3A_10 = arith.mulf %mul3A_3, %mul3A_3 : vector<1x64xf32>
    %sub3A = arith.subf %mul3A_9, %mul3A_10 : vector<1x64xf32>
    %get3A_11 = arith.constant 0 : index
    %get3A_12 = arith.constant 0 : index
    %get3A_13 = vector.load %arg5[%get3A_11, %get3A_12] : memref<1x64xf32, #tpu.memory_space<vmem>>, vector<1x64xf32>
    %add3A = arith.constant 9.99999974E-6 : f32
    %add3A_14 = vector.broadcast %add3A : f32 to vector<1x64xf32>
    %add3A_15 = arith.addf %sub3A, %add3A_14 : vector<1x64xf32>
    %rsqrt3A = math.rsqrt %add3A_15 : vector<1x64xf32>
    %mul3A_16 = arith.mulf %get3A_13, %rsqrt3A : vector<1x64xf32>
    %get3A_17 = arith.constant 0 : index
    %get3A_18 = arith.constant 0 : index
    %get3A_19 = vector.load %arg6[%get3A_17, %get3A_18] : memref<1x64xf32, #tpu.memory_space<vmem>>, vector<1x64xf32>
    %mul3A_20 = arith.mulf %mul3A_3, %mul3A_16 : vector<1x64xf32>
    %sub3A_21 = arith.subf %get3A_19, %mul3A_20 : vector<1x64xf32>
    %get3A_22 = arith.constant 0 : index
    %get3A_23 = arith.constant 0 : index
    %get3A_24 = vector.load %arg1[%get3A_22, %get3A_23] : memref<2000x64xf32, #tpu.memory_space<vmem>>, vector<2000x64xf32>
    %get3A_25 = arith.constant 0 : index
    %get3A_26 = arith.constant 0 : index
    %get3A_27 = vector.load %arg2[%get3A_25, %get3A_26] : memref<2000x64xf32, #tpu.memory_space<vmem>>, vector<2000x64xf32>
    %mul3A_28 = vector.broadcast %mul3A_16 : vector<1x64xf32> to vector<2000x64xf32>
    %mul3A_29 = arith.mulf %mul3A_28, %get3A_27 : vector<2000x64xf32>
    %add3A_30 = arith.addf %get3A_24, %mul3A_29 : vector<2000x64xf32>
    %add3A_31 = vector.broadcast %sub3A_21 : vector<1x64xf32> to vector<2000x64xf32>
    %add3A_32 = arith.addf %add3A_30, %add3A_31 : vector<2000x64xf32>
    %custom_jvp_call3A = arith.constant 0.000000e+00 : f32
    %max3A = vector.broadcast %custom_jvp_call3A : f32 to vector<2000x64xf32>
    %max3A_33 = arith.maximumf %add3A_32, %max3A : vector<2000x64xf32>
    %sub3A_34 = vector.broadcast %custom_jvp_call3A : f32 to vector<2000x64xf32>
    %sub3A_35 = arith.subf %add3A_32, %sub3A_34 : vector<2000x64xf32>
    %ne3A = arith.cmpf one, %sub3A_35, %sub3A_35 : vector<2000x64xf32>
    %add3A_36 = vector.broadcast %custom_jvp_call3A : f32 to vector<2000x64xf32>
    %add3A_37 = arith.addf %add3A_32, %add3A_36 : vector<2000x64xf32>
    %abs3A = math.absf %sub3A_35 : vector<2000x64xf32>
    %neg3A = arith.constant 0.000000e+00 : f32
    %neg3A_38 = vector.broadcast %neg3A : f32 to vector<2000x64xf32>
    %neg3A_39 = arith.subf %neg3A_38, %abs3A : vector<2000x64xf32>
    %exp3A = math.exp %neg3A_39 : vector<2000x64xf32>
    %log1p3A = math.log1p %exp3A : vector<2000x64xf32>
    %add3A_40 = arith.addf %max3A_33, %log1p3A : vector<2000x64xf32>
    %select_n3A = arith.select %ne3A, %add3A_37, %add3A_40 : vector<2000x64xi1>, vector<2000x64xf32>
    %swap3A = arith.constant 0 : index
    %swap3A_41 = arith.constant 0 : index
    %swap3A_42 = vector.load %arg7[%swap3A, %swap3A_41] : memref<2000x64xf32, #tpu.memory_space<vmem>>, vector<2000x64xf32>
    tpu.vector_store %arg7[%swap3A, %swap3A_41], %select_n3A {strides = array<i32>} : memref<2000x64xf32, #tpu.memory_space<vmem>>, vector<2000x64xf32>,
    return
  }
  func.func @transform_0(%arg0: i32) -> (i32, i32) {
    %c0_i32 = arith.constant 0 : i32
    %c0_i32_0 = arith.constant 0 : i32
    return %arg0, %c0_i32 : i32, i32
  }
  func.func @transform_1(%arg0: i32) -> (i32, i32) {
    %c0_i32 = arith.constant 0 : i32
    %c0_i32_0 = arith.constant 0 : i32
    return %arg0, %c0_i32 : i32, i32
  }
  func.func @transform_2(%arg0: i32) -> (i32, i32) {
    %c0_i32 = arith.constant 0 : i32
    %c0_i32_0 = arith.constant 0 : i32
    %c0_i32_1 = arith.constant 0 : i32
    return %c0_i32, %c0_i32_0 : i32, i32
  }
  func.func @transform_3(%arg0: i32) -> (i32, i32) {
    %c0_i32 = arith.constant 0 : i32
    %c0_i32_0 = arith.constant 0 : i32
    %c0_i32_1 = arith.constant 0 : i32
    return %c0_i32, %c0_i32_0 : i32, i32
  }
  func.func @transform_4(%arg0: i32) -> (i32, i32) {
    %c0_i32 = arith.constant 0 : i32
    %c0_i32_0 = arith.constant 0 : i32
    %c0_i32_1 = arith.constant 0 : i32
    return %c0_i32, %c0_i32_0 : i32, i32
  }
  func.func @transform_5(%arg0: i32) -> (i32, i32) {
    %c0_i32 = arith.constant 0 : i32
    %c0_i32_0 = arith.constant 0 : i32
    %c0_i32_1 = arith.constant 0 : i32
    return %c0_i32, %c0_i32_0 : i32, i32
  }
  func.func @transform_6(%arg0: i32) -> (i32, i32) {
    %c0_i32 = arith.constant 0 : i32
    %c0_i32_0 = arith.constant 0 : i32
    return %arg0, %c0_i32 : i32, i32
  }
}

</mosaic_0001>

<sc_bundles>
// kernel: kernel.7.cloned.1.call-start
scs
__scs_entry_jumppad:
0x0: {  	(pc) =	sbr.rel $0x88, $3  }
0x1: {  	(tag) =	ssettag $0x0;
	lr =	simm.s32 $0x1  }
0x2: {  	[smem:$0x3F98] =	sst lr;
	_ =	strace $0xD0000000  }
0x3: {  	_ = 	snop  }
0x4: {  	_ = 	snop  }
0x5: {  	_ = 	snop  }
0x6: {  	_ = 	snop  }
0x7: {  	_ = 	snop  }
__scs_overlays_trampoline_lowered:
0x8: {  	[smem:$0x3FA7] =	sst s0  }
0x9: {  	[smem:$0x3FA8] =	sst s1  }
0xa: {  	[smem:$0x3FA9] =	sst s2  }
0xb: {  	[smem:$0x3FAA] =	sst s3  }
0xc: {  	[smem:$0x3FAB] =	sst s4  }
0xd: {  	[smem:$0x3FAC] =	sst s5  }
0xe: {  	[smem:$0x3FAD] =	sst s6  }
0xf: {  	[smem:$0x3FAE] =	sst s7  }
0x10: {  	[smem:$0x3FAF] =	sst s8  }
0x11: {  	[smem:$0x3FB0] =	sst s9;
	s0 =	simm.s32 @!p0 $0x0  }
0x12: {  	s1 =	sld [smem:$0x3F96];
	s0 =	simm.s32 @p0 $0x1  }
0x13: {  	[smem:$0x3FB1] =	sst s0;
	s0 =	simm.s32 @!p1 $0x0  }
0x14: {  	s2 =	sld [smem:$0x3F95];
	s0 =	simm.s32 @p1 $0x1  }
0x15: {  	[smem:$0x3FB2] =	sst s0;
	s0 =	simm.s32 @!p2 $0x0  }
0x16: {  	s3 =	sld [smem:$0x3FDB];
	s0 =	simm.s32 @p2 $0x1  }
0x17: {  	s4 =	simm.s32 $0x1BF5;
	[smem:$0x3FB4] =	sst s0  }
0x18: {  	s0 =	sld [smem:$0x3F97];
	_ =	swait.ge [sflag:s4], $0x0  }
0x19: {  	s7 =	sld [smem:$0x3F98]  }
0x1a: {  	s8 =	sadd.s32 $0xFFFFE003, lr  }
0x1b: {  	s9 =	sadd.s32 $0xFFFFFEF7, lr;
	s5 =	simm.s32 $0xFFFFFFFF;
	p2 =	slt.u32 s8, $0xFFFFF086  }
0x1c: {  	p1 =	slt.u32 s9, $0xF7A;
	s5 =	simm.s32 @!p2 $0x0  }
0x1d: {  	s5 =	simm.s32 @p1 $0x1;
	p0 =	seq.s32 s7, s2  }
0x1e: {  	s7 =	smul.u32 @!p0 $0xF7A, s2;
	p2 =	seq.s32 @!p0 s5, $0x0  }
0x1f: {  	s9 =	smul.u32 $0xF7A, s1;
	s8 =	simm.s32 @!p0 $0x1BF5;
	p2 =	por !p2, p0  }
0x20: {  	[sflag:s8] =	ssyncset.s32 @!p0 $0xFFFFF086;
	s6 =	sadd.s32 @!p0 s3, s7;
	s7 =	simm.s32 @!p0 $0x108  }
0x21: {  	s3 =	sadd.s32 s3, s9;
	s6 =	sadd.s32 @!p0 $0x88, s6;
	s7 =	simm.s32 @p2 $0x1082  }
0x22: {  	[simem:s7], [sflag:s8] =	dma.local @!p0 [hbm:s6], $0xF7A  }
0x23: {  	s9 =	sor.u32 $0xD0000000, s2;
	s6 =	simm.s32 $0x108;
	_ =	swait.ge @!p0 [sflag:s8], $0x0  }
0x24: {  	s3 =	sadd.s32 $0x88, s3;
	s6 =	simm.s32 @!p1 $0x1082;
	[sflag:s4] =	ssyncset.s32 $0xFFFFF086  }
0x25: {  	[simem:s6], [sflag:s4] =	dma.local [hbm:s3], $0xF7A  }
0x26: {  	[smem:$0x3F98] =	sst s1;
	(tag) =	ssettag s2;
	_ =	strace s9  }
0x27: {  	s1 =	sld [smem:$0x3FA8]  }
0x28: {  	s2 =	sld [smem:$0x3FA9]  }
0x29: {  	s4 =	sld [smem:$0x3FAB]  }
0x2a: {  	p0 =	seq.s32 s5, $0x0;
	s5 =	sld [smem:$0x3FAC]  }
0x2b: {  	s6 =	sld [smem:$0x3FAD]  }
0x2c: {  	s7 =	sld [smem:$0x3FAE]  }
0x2d: {  	s3 =	simm.s32 $0x108;
	s8 =	sld [smem:$0x3FAF]  }
0x2e: {  	s3 =	simm.s32 @!p0 $0x1082;
	s9 =	sld [smem:$0x3FB0]  }
0x2f: {  	lr =	sadd.s32 s0, s3;
	s0 =	sld [smem:$0x3FA7]  }
0x30: {  	s3 =	sld [smem:$0x3FAA]  }
0x31: {  	[smem:$0x3FB3] =	sst s10  }
0x32: {  	s10 =	sld [smem:$0x3FB1];
	_ =	sdelay $0x3  }
0x33: {  	p0 =	seq.s32 s10, $0x1;
	s10 =	sld [smem:$0x3FB3];
	_ =	sdelay $0x3  }
0x34: {  	[smem:$0x3FB3] =	sst s10  }
0x35: {  	s10 =	sld [smem:$0x3FB2];
	_ =	sdelay $0x3  }
0x36: {  	p1 =	seq.s32 s10, $0x1;
	s10 =	sld [smem:$0x3FB3];
	_ =	sdelay $0x3  }
0x37: {  	[smem:$0x3FB3] =	sst s10  }
0x38: {  	s10 =	sld [smem:$0x3FB4]  }
0x39: {  	_ = 	snop;
	(pc) =	sbr.ind lr, $3  }
0x3a: {  	_ = 	snop  }
0x3b: {  	_ = 	snop  }
0x3c: {  	p2 =	seq.s32 s10, $0x1;
	s10 =	sld [smem:$0x3FB3]  }
0x3d: {  	_ =	shalt  }
0x3e: {  	_ =	shalt  }
0x3f: {  	_ =	shalt  }
0x40: {  	_ =	shalt  }
0x41: {  	_ =	shalt  }
0x42: {  	_ =	shalt  }
0x43: {  	_ =	shalt  }
0x44: {  	_ =	shalt  }
0x45: {  	_ =	shalt  }
0x46: {  	_ =	shalt  }
0x47: {  	_ =	shalt  }
0x48: {  	_ =	shalt  }
0x49: {  	_ =	shalt  }
0x4a: {  	_ =	shalt  }
0x4b: {  	_ =	shalt  }
0x4c: {  	_ =	shalt  }
0x4d: {  	_ =	shalt  }
0x4e: {  	_ =	shalt  }
0x4f: {  	_ =	shalt  }
0x50: {  	_ =	shalt  }
0x51: {  	_ =	shalt  }
0x52: {  	_ =	shalt  }
0x53: {  	_ =	shalt  }
0x54: {  	_ =	shalt  }
0x55: {  	_ =	shalt  }
0x56: {  	_ =	shalt  }
0x57: {  	_ =	shalt  }
0x58: {  	_ =	shalt  }
0x59: {  	_ =	shalt  }
0x5a: {  	_ =	shalt  }
0x5b: {  	_ =	shalt  }
0x5c: {  	_ =	shalt  }
0x5d: {  	_ =	shalt  }
0x5e: {  	_ =	shalt  }
0x5f: {  	_ =	shalt  }
0x60: {  	_ =	shalt  }
0x61: {  	_ =	shalt  }
0x62: {  	_ =	shalt  }
0x63: {  	_ =	shalt  }
0x64: {  	_ =	shalt  }
0x65: {  	_ =	shalt  }
0x66: {  	_ =	shalt  }
0x67: {  	_ =	shalt  }
0x68: {  	_ =	shalt  }
0x69: {  	_ =	shalt  }
0x6a: {  	_ =	shalt  }
0x6b: {  	_ =	shalt  }
0x6c: {  	_ =	shalt  }
0x6d: {  	_ =	shalt  }
0x6e: {  	_ =	shalt  }
0x6f: {  	_ =	shalt  }
0x70: {  	_ =	shalt  }
0x71: {  	_ =	shalt  }
0x72: {  	_ =	shalt  }
0x73: {  	_ =	shalt  }
0x74: {  	_ =	shalt  }
0x75: {  	_ =	shalt  }
0x76: {  	_ =	shalt  }
0x77: {  	_ =	shalt  }
0x78: {  	_ =	shalt  }
0x79: {  	_ =	shalt  }
0x7a: {  	_ =	shalt  }
0x7b: {  	_ =	shalt  }
0x7c: {  	_ =	shalt  }
0x7d: {  	_ =	shalt  }
0x7e: {  	_ =	shalt  }
0x7f: {  	_ =	shalt  }
0x80: {  	_ =	shalt  }
0x81: {  	_ =	shalt  }
0x82: {  	_ =	shalt  }
0x83: {  	_ =	shalt  }
0x84: {  	_ =	shalt  }
0x85: {  	_ =	shalt  }
0x86: {  	_ =	shalt  }
0x87: {  	_ =	shalt  }
.Lfunc_end0:
.L_simem_size_0:
called_computation_lowered:
.L_overlay_start_0:
0x88: {  	s2 =	sld [smem:$0x3FD9]  }
0x89: {  	s3 =	sld [smem:$0x3FFE];
	_ =	sdelay $0x1  }
0x8a: {  	s1 =	srdreg.scid  }
0x8b: {  	s0 =	sand.u32 $0x1, s1  }
0x8c: {  	s17 =	sshll.u32 s0, $0xA;
	s2 =	sadd.s32 s3, s2  }
0x8d: {  	s2 =	sadd.s32 s2, s17  }
0x8e: {  	[smem:$0x3FBF] =	sst s2  }
0x8f: {  	_ = 	snop  }
0x90: {  	s2 =	sld [smem:$0x3FC7];
	(tm) =	ssettm $0x1  }
0x91: {  	s18 =	sld [smem:$0x3FFB];
	_ =	sdelay $0x3  }
0x92: {  	_ =	strace s18  }
0x93: {  	s3 =	sld [smem:$0x3FFC];
	_ =	sdelay $0x3  }
0x94: {  	_ =	strace s3  }
0x95: {  	s3 =	sld [smem:$0x3FFD];
	_ =	sdelay $0x3  }
0x96: {  	_ =	strace s3  }
0x97: {  	_ =	strace $0x8FFFFFFF  }
0x98: {  	s19 =	sld [smem:$0x3FDB];
	_ =	sdelay $0x1  }
0x99: {  	s4 =	simm.s32 $_scs_section_size  }
0x9a: {  	s5 =	simm.s32 $_size__tile_overlayer_lowered;
	s6 =	simm.s32 $_tile_overlayer_lowered  }
0x9b: {  	s22 =	simm.s32 $0x1BFF;
	s21 =	sshll.u32 s6, $0x1;
	s3 =	sadd.s32 s4, s19  }
0x9c: {  	s7 =	simm.s32 $0x0;
	s20 =	sshll.u32 s5, $0x1;
	s5 =	sadd.s32 s21, s3  }
0x9d: {  	[timem:s7], [sflag:s22] =	dma.local [hbm:s5], s20  }
0x9e: {  	_ =	swait.ge [sflag:s22], s20  }
0x9f: {  	s4 =	ssub.s32 $0x0, s20;
	[sflag:s22] =	ssyncset.done $0x0  }
0xa0: {  	[sflag:s22] =	ssyncadd.s32 s4;
	_ =	sdelay $0x1  }
0xa1: {  	s23 =	simm.s32 $0x1B8B  }
0xa2: {  	_ =	swait.ge [sflag:s23], $0x1  }
0xa3: {  	[sflag:s23] =	ssyncset.done $0x0  }
0xa4: {  	s25 =	simm.s32 $0x1B8E;
	s24 =	sld [smem:$0x3FFE];
	[sflag:s23] =	ssyncadd.s32 $0xFFFFFFFF  }
0xa5: {  	s26 =	simm.s32 $execute0_lowered;
	[smem:$0x3FD2] =	sst s25  }
0xa6: {  	s5 =	sshll.u32 s26, $0x1;
	_ =	strace $0x80000046;
	[dreg:$0x1] =	wrdreg $0xFFFFFFFF  }
0xa7: {  	s28 =	simm.s32 $_size_execute0_lowered;
	s3 =	sadd.s32 s3, s5;
	[dreg:$0x0] =	wrdreg $0x0  }
0xa8: {  	s5 =	sshll.u32 s28, $0x1;
	[dreg:$0x2] =	wrdreg s3  }
0xa9: {  	[dreg:$0x3] =	wrdreg s5  }
0xaa: {  	[dreg:$0x4] =	wrdreg $0xC0  }
0xab: {  	_ =	task [dreg:s7], $0x5FFFF  }
0xac: {  	[dreg:$0x1] =	wrdreg $0xFFFFFFFF  }
0xad: {  	[dreg:$0x0] =	wrdreg $0x60  }
0xae: {  	[dreg:$0x2] =	wrdreg s24  }
0xaf: {  	[dreg:$0x3] =	wrdreg s2  }
0xb0: {  	[dreg:$0x4] =	wrdreg $0x9  }
0xb1: {  	_ =	task.clear_ibuf [dreg:s7], $0x5FFFF;
	_ =	strace $0x90000046  }
0xb2: {  	s29 =	simm.s32 $0x9;
	_ =	strace $0x80000048  }
0xb3: {  	_ =	swait.ge [sflag:s29], $0x1  }
0xb4: {  	[sflag:s29] =	ssyncadd.s32 $0xFFFFFFFF  }
0xb5: {  	_ =	strace $0x90000048  }
0xb6: {  	_ =	sfence  }
0xb7: {  	s30 =	sld [smem:$0x0];
	_ =	sdelay $0x2  }
0xb8: {  	s31 =	sshll.u32 s1, $0xD;
	s1 =	sshrl.u32 s1, $0x2  }
0xb9: {  	s3 =	sand.u32 $0x4000, s31;
	s1 =	sadd.s32 s1, s30  }
0xba: {  	s0 =	sor.u32 s3, s0;
	s1 =	sshll.u32 s1, $0x11  }
0xbb: {  	s0 =	sor.u32 s1, s0  }
0xbc: {  	s0 =	sadd.s32 $0x8F2B, s0  }
0xbd: {  	[sflag:s0] =	ssyncadd.remote.s32 $0x1  }
0xbe: {  	_ =	sfence.sel $0xFFFF  }
0xbf: {  	[dreg:$0x0] =	wrdreg $0xFFFFFFFF;
	(pc) =	sbr.abs _section_cstart, $3  }
0xc0: {  	[dreg:$0x1] =	wrdreg $0xFFFFFFFF  }
0xc1: {  	_ =	task.clear_ibuf [dreg:s7], $0x2FFFF;
	_ =	strace $0x9FFFFFFF  }
0xc2: {  	(tm) =	ssettm $0x7FFFFFFF  }
0xc3: {  	_ =	shalt  }
tec
execute0_lowered:
.L_overlay_start_1:
0x0: {  	(tag) =	ssettag $0x1  }
0x1: {  	s1 =	srdreg.scid;
	s6 =	rddreg [dreg:$0x0]  }
0x2: {  	s0 =	stileid.u32;
	s7 =	rddreg [dreg:$0x1]  }
0x3: {  	s3 =	simm.s32 $0x1;
	s2 =	simm.s32 $0x0;
	s4 =	simm.s32 $0x1  }
0x4: {  	s12 =	simm.s32 $0x5;
	s13 =	simm.s32 $0xC8;
	s5 =	sand.u32 $0x1, s1  }
0x5: {  	s14 =	simm.s32 $0xC380;
	s15 =	simm.s32 $0x3;
	s1 =	sor.u32 s5, s0  }
0x6: {  	s16 =	simm.s32 $0x2;
	p0 =	seq.s32 s5, $0x1;
	p1 =	seq.s32 s1, $0x0  }
0x7: {  	s17 =	simm.s32 $0x12780;
	s18 =	simm.s32 $0x4;
	p1 =	por !p1, !p0  }
0x8: {  	s19 =	simm.s32 $0x0;
	[smem:$0x7FF] =	sst s2;
	p1 =	por !p1, !p1  }
0x9: {  	s28 =	ssub.s32 $0x2, s5;
	s5 =	simm.s32 $0x61A8;
	s3 =	simm.s32 @!p1 $0x0  }
0xa: {  	s1 =	rddreg [dreg:$0x2];
	_ =	strace $0x80000047;
	s8 =	ssub.s32 s0, s3  }
0xb: {  	s11 =	sshrl.u32 s28, $0x1;
	s9 =	smul.u32 $0xC3500, s8;
	s10 =	sshrl.u32 s8, $0x3  }
0xc: {  	s5 =	simm.s32 @!p0 $0x0;
	s29 =	ssub.s32 s28, s11;
	s26 =	smul.u32 $0x61C00, s10  }
.Ltmp0:
0xd: {  	s30 =	sshll.u32 s5, $0x4;
	s8 =	sshll.u32 s8, $0x7;
	(pc) =	sbr.rel .LBB2_1-.Ltmp0, $4  }
0xe: {  	s11 =	simm.s32 $0x400;
	s3 =	sadd.s32 $0x1A00, s6;
	s8 =	sand.u32 $0x380, s8  }
0xf: {  	s10 =	simm.s32 $0x80;
	s9 =	sadd.s32 s9, s6;
	s6 =	sor.u32 s8, s26  }
0x10: {  	s31 =	sadd.s32 s30, s9;
	s9 =	sadd.s32 $0xC8, s5;
	s6 =	sshrl.u32 s6, $0x3  }
0x11: {  	s8 =	sadd.s32 $0x188600, s31;
	s6 =	sadd.s32 s7, s6;
	s7 =	smax.u32 s29, $0x1  }
.LBB2_10:
0x12: {  	s19 =	sadd.s32 $0x1, s19  }
0x13: {  	_ =	swait.ge [sflag:s15], $0x6400;
	p0 =	sne.s32 s19, s7  }
.Ltmp1:
0x14: {  	[sflag:s15] =	ssyncset.done $0x0;
	(pc) =	sbr.rel @!p0 .LBB2_11-.Ltmp1, $4  }
0x15: {  	[sflag:s15] =	ssyncadd.s32 $0xFFFF9C00  }
0x16: {  	_ =	swait.ge [sflag:s18], $0x6400  }
0x17: {  	[sflag:s18] =	ssyncset.done $0x0  }
0x18: {  	[sflag:s18] =	ssyncadd.s32 $0xFFFF9C00  }
.LBB2_1:
0x19: {  	[tilespmem:s2], [sflag:$0x5] =	stream.strided.gather [hbm4b:s6+s10], $0xC380, s11, s10, $0x38;
	[tilespmem:$0x18B80] =	vst v63  }
.Ltmp2:
0x1a: {  	_ = 	snop;
	(pc) =	sbr.rel .LBB2_2-.Ltmp2, $4  }
0x1b: {  	_ =	swait.ge [sflag:s12], $0xC380  }
0x1c: {  	s20 =	smov.u32 s9;
	[sflag:s12] =	ssyncset.done $0x0  }
0x1d: {  	s21 =	smov.u32 s8;
	s22 =	simm.s32 $0x0;
	[sflag:s12] =	ssyncadd.s32 $0xFFFF3C80  }
0x1e: {  	[tilespmem:s14], [sflag:$0x1] =	stream.indirect.gather [hbm4b:s3+s13], $0x80, s5, s13, $0xb8;
	[tilespmem:$0x18B80] =	vst v63  }
.LBB2_8:
0x1f: {  	_ =	swait.ge [sflag:s15], $0x6400  }
0x20: {  	[sflag:s15] =	ssyncset.done $0x0  }
0x21: {  	[sflag:s15] =	ssyncadd.s32 $0xFFFF9C00  }
0x22: {  	[tilespmem:s14], [sflag:$0x1] =	stream.indirect.gather [hbm4b:s3+s13], $0x80, s20, s13, $0xb8;
	[tilespmem:$0x18B80] =	vst v63  }
0x23: {  	_ =	swait.ge [sflag:s16], $0x6400  }
0x24: {  	[sflag:s16] =	ssyncset.done $0x0  }
0x25: {  	[sflag:s16] =	ssyncadd.s32 $0xFFFF9C00  }
0x26: {  	[hbm4b:s21+s2] =	stream.linear.scatter [tilespmem:s17], [sflag:$0x4], $0x6400, $0x38;
	[tilespmem:$0x18B80] =	vst v63  }
.LBB2_9:
0x27: {  	s22 =	sadd.s32 $0x1, s22  }
0x28: {  	p0 =	sne.s32 s22, $0x7D  }
.Ltmp3:
0x29: {  	_ = 	snop;
	(pc) =	sbr.rel @!p0 .LBB2_10-.Ltmp3, $2  }
0x2a: {  	_ =	sdelay $0x2  }
0x2b: {  	s21 =	sadd.s32 $0xC80, s21;
	s20 =	sadd.s32 $0xC8, s20  }
.LBB2_2:
0x2c: {  	s23 =	sand.u32 $0x1, s22  }
0x2d: {  	p0 =	seq.s32 s23, $0x1  }
.Ltmp4:
0x2e: {  	_ = 	snop;
	(pc) =	sbr.rel @p0 .LBB2_8-.Ltmp4, $1  }
0x2f: {  	_ =	sdelay $0x3  }
0x30: {  	p0 =	seq.s32 s22, $0x0  }
.Ltmp5:
0x31: {  	_ = 	snop;
	(pc) =	sbr.rel @p0 .LBB2_6-.Ltmp5, $1  }
0x32: {  	_ =	sdelay $0x3  }
0x33: {  	p0 =	seq.s32 s22, $0x7C  }
.Ltmp6:
0x34: {  	_ = 	snop;
	(pc) =	sbr.rel @p0 .LBB2_7-.Ltmp6, $1  }
0x35: {  	_ =	sdelay $0x3  }
0x36: {  	_ =	swait.ge [sflag:s18], $0x6400  }
0x37: {  	[sflag:s18] =	ssyncset.done $0x0  }
0x38: {  	[sflag:s18] =	ssyncadd.s32 $0xFFFF9C00  }
.LBB2_6:
0x39: {  	[tilespmem:s17], [sflag:$0x2] =	stream.indirect.gather [hbm4b:s3+s13], $0x80, s20, s13, $0xb8;
	[tilespmem:$0x18B80] =	vst v63  }
.LBB2_7:
.Ltmp7:
0x3a: {  	(pc) =	sbr.rel .LBB2_9-.Ltmp7, $4  }
0x3b: {  	_ =	swait.ge [sflag:s4], $0x6400  }
0x3c: {  	[sflag:s4] =	ssyncset.done $0x0  }
0x3d: {  	[sflag:s4] =	ssyncadd.s32 $0xFFFF9C00  }
0x3e: {  	[hbm4b:s21+s2] =	stream.linear.scatter [tilespmem:s14], [sflag:$0x3], $0x6400, $0x38;
	[tilespmem:$0x18B80] =	vst v63  }
.LBB2_11:
0x3f: {  	_ =	sfence.sel $0x180000  }
0x40: {  	[bflag:$0x0] =	sbarrier.arrive $0xFFFF  }
0x41: {  	p0 =	sne.s32 s0, $0x0;
	_ =	strace $0x90000047  }
0x42: {  	s0 =	sadd.s32 @!p0 $0x100000, s1;
	[bflag:$0x2] =	sbarrier.arrive $0xFFFF  }
0x43: {  	[sflag:s0] =	ssyncadd.tile.s32 @!p0 $0x1;
	_ =	shalt  }
.Lfunc_end2:
_tile_overlayer_lowered:
.L_overlay_start_2:
0x44: {  	(tag) =	ssettag $0x2  }
0x45: {  	s0 =	rddreg [dreg:$0x0];
	s2 =	stileid.u32  }
0x46: {  	s1 =	rddreg [dreg:$0x1];
	p0 =	sne.s32 s2, $0x0  }
0x47: {  	s3 =	rddreg [dreg:$0x2];
	[bflag:$0x3] =	sbarrier.arrive $0xFFFF;
	s2 =	simm.s32 @!p0 $0x1C05  }
0x48: {  	[timem:s3], [sflag:s2] =	dma.local @!p0 [hbm:s0], s1  }
0x49: {  	s0 =	simm.s32 @!p0 $0x5  }
0x4a: {  	_ =	swait.ge @!p0 [sflag:s0], s1  }
0x4b: {  	s1 =	ssub.s32 @!p0 $0x0, s1;
	[sflag:s0] =	ssyncset.done @!p0 $0x0  }
0x4c: {  	[sflag:s0] =	ssyncadd.s32 @!p0 s1  }
0x4d: {  	[bflag:$0x3] =	sbarrier.arrive $0xFFFF  }
0x4e: {  	_ =	shalt  }

</sc_bundles>
